<compile_context>
chip_gen: v7x
topology: tpu7x:2x2x1
jax: 0.10.2.dev20260603
libtpu: 0.0.44.dev20260713+nightly
codegen_flags: <defaults>
</compile_context>

<pallas_src>
import functools
import math

import jax
import jax.numpy as jnp
from jax import lax
from jax.experimental import pallas as pl
from jax.experimental.pallas import tpu as pltpu
from jax.experimental.pallas import tpu_sc as plsc

N = 10000
E = 160000
H = 128
H3 = 3 * H
NUM_RBF = 128
TBL = H3 + H3
MSG = 4 * H

_SILU_SCALE = 1.0 / 0.6
_INV_SQRT_3 = 1.0 / math.sqrt(3.0)
_INV_SQRT_H = 1.0 / math.sqrt(H)

NC = 2
NS = 16
NW = NC * NS

_BN = 400


def _node_mlp_body(x_ref, vec_ref, g_ref, b_ref, w1_ref, b1_ref, w2_ref,
                   b2_ref, out_ref):
    x = x_ref[...]
    mean = jnp.mean(x, axis=-1, keepdims=True)
    xc = x - mean
    var = jnp.mean(xc * xc, axis=-1, keepdims=True)
    xn = xc * lax.rsqrt(var + 1e-5) * g_ref[...] + b_ref[...]
    a = xn @ w1_ref[...] + b1_ref[...]
    a = jax.nn.silu(a) * _SILU_SCALE
    h3 = a @ w2_ref[...] + b2_ref[...]
    out_ref[:, :H3] = h3
    out_ref[:, H3:] = vec_ref[...]


def _node_mlp(x, vec2, g, b, w1, b1, w2, b2):
    return pl.pallas_call(
        _node_mlp_body,
        grid=(N // _BN,),
        in_specs=[
            pl.BlockSpec((_BN, H), lambda i: (i, 0)),
            pl.BlockSpec((_BN, H3), lambda i: (i, 0)),
            pl.BlockSpec((1, H), lambda i: (0, 0)),
            pl.BlockSpec((1, H), lambda i: (0, 0)),
            pl.BlockSpec((H, H), lambda i: (0, 0)),
            pl.BlockSpec((1, H), lambda i: (0, 0)),
            pl.BlockSpec((H, H3), lambda i: (0, 0)),
            pl.BlockSpec((1, H3), lambda i: (0, 0)),
        ],
        out_specs=pl.BlockSpec((_BN, TBL), lambda i: (i, 0)),
        out_shape=jax.ShapeDtypeStruct((N, TBL), jnp.float32),
    )(x, vec2, g, b, w1, b1, w2, b2)


_EPW = E // NW
_BG = 128
_NBG = _EPW // _BG
_TG = _EPW - _NBG * _BG

@functools.cache
def _get_gather_k():
    mesh = plsc.VectorSubcoreMesh(core_axis_name="c", subcore_axis_name="s")
    return functools.partial(
        pl.kernel,
        out_type=jax.ShapeDtypeStruct((E, TBL), jnp.float32),
        mesh=mesh,
        scratch_types=[
            pltpu.VMEM((_BG,), jnp.int32),
            pltpu.VMEM((_TG,), jnp.int32),
            pltpu.VMEM((_BG, TBL), jnp.float32),
            pltpu.SemaphoreType.DMA,
        ],
    )(_gather_body)


def _gather_body(table_hbm, src_hbm, out_hbm, idx_v, idxt_v, rows_v, sem):
    wid = lax.axis_index("s") * NC + lax.axis_index("c")
    base = wid * _EPW

    def body(bi, carry):
        off = base + bi * _BG
        pltpu.sync_copy(src_hbm.at[pl.ds(off, _BG)], idx_v)
        pltpu.async_copy(table_hbm.at[idx_v], rows_v, sem).wait()
        pltpu.sync_copy(rows_v, out_hbm.at[pl.ds(off, _BG)])
        return carry

    lax.fori_loop(0, _NBG, body, 0)
    toff = base + _NBG * _BG
    pltpu.sync_copy(src_hbm.at[pl.ds(toff, _TG)], idxt_v)
    pltpu.async_copy(table_hbm.at[idxt_v], rows_v.at[pl.ds(0, _TG)], sem).wait()
    pltpu.sync_copy(rows_v.at[pl.ds(0, _TG)], out_hbm.at[pl.ds(toff, _TG)])


_BE = 640


def _msg_body(rbf_ref, jv_ref, ev_ref, wr_ref, br_ref, out_ref):
    rbfh = rbf_ref[...] @ wr_ref[...] + br_ref[...]
    jv = jv_ref[...]
    prod = jv[:, :H3] * rbfh
    x_m = prod[:, :H]
    xh2 = prod[:, H:2 * H] * _INV_SQRT_3
    xh3 = prod[:, 2 * H:]
    out_ref[:, :H] = x_m
    for d in range(3):
        vec_d = jv[:, H3 + d * H:H3 + (d + 1) * H]
        ev_d = ev_ref[:, d:d + 1]
        out_ref[:, (d + 1) * H:(d + 2) * H] = (
            vec_d * xh2 + xh3 * ev_d) * _INV_SQRT_H


def _messages(edge_rbf, jv, evp, wr, br):
    return pl.pallas_call(
        _msg_body,
        grid=(E // _BE,),
        in_specs=[
            pl.BlockSpec((_BE, NUM_RBF), lambda i: (i, 0)),
            pl.BlockSpec((_BE, TBL), lambda i: (i, 0)),
            pl.BlockSpec((_BE, 8), lambda i: (i, 0)),
            pl.BlockSpec((NUM_RBF, H3), lambda i: (0, 0)),
            pl.BlockSpec((1, H3), lambda i: (0, 0)),
        ],
        out_specs=pl.BlockSpec((_BE, MSG), lambda i: (i, 0)),
        out_shape=jax.ShapeDtypeStruct((E, MSG), jnp.float32),
    )(edge_rbf, jv, evp, wr, br)


_EPS = E // NS
_BS = 80
_NBS = _EPS // _BS
_NCH = MSG // H
_FL = 10
_FR = N // _FL


@functools.cache
def _get_scatter_k():
    mesh = plsc.VectorSubcoreMesh(core_axis_name="c", subcore_axis_name="s")
    return functools.partial(
        pl.kernel,
        out_type=jax.ShapeDtypeStruct((_NCH, N, H), jnp.float32),
        mesh=mesh,
        scratch_types=[
            pltpu.VMEM((_NBS, _BS), jnp.int32),
            pltpu.VMEM((_BS, H), jnp.float32),
            pltpu.VMEM_SHARED((N, H), jnp.float32),
        ],
    )(_scatter_body)


def _scatter_body(m_hbm, dst_hbm, zeros_hbm, out_hbm, idx_v, msg_v, acc_sh):
    cid = lax.axis_index("c")
    sid = lax.axis_index("s")
    pltpu.sync_copy(dst_hbm.at[sid], idx_v)
    for r in range(_NCH // NC):
        ch = r * NC + cid

        @pl.when(sid < _FL)
        def _zero():
            pltpu.sync_copy(zeros_hbm, acc_sh.at[pl.ds(sid * _FR, _FR)])

        plsc.subcore_barrier()

        def body(bi, carry):
            pltpu.sync_copy(
                m_hbm.at[pl.ds(sid * _EPS + bi * _BS, _BS),
                         pl.ds(ch * H, H)],
                msg_v)
            pltpu.sync_copy(msg_v, acc_sh.at[idx_v.at[bi]], add=True)
            return carry

        lax.fori_loop(0, _NBS, body, 0)
        plsc.subcore_barrier()

        @pl.when(sid < _FL)
        def _flush():
            pltpu.sync_copy(acc_sh.at[pl.ds(sid * _FR, _FR)],
                            out_hbm.at[ch, pl.ds(sid * _FR, _FR)])

        plsc.subcore_barrier()


def kernel(x, vec, edge_index, edge_rbf, edge_vector, ln_gamma, ln_beta,
           W1, b1, W2, b2, Wrbf, brbf):
    src = edge_index[0].astype(jnp.int32)
    dst = edge_index[1].astype(jnp.int32)
    vec2 = vec.reshape(N, H3)

    table = _node_mlp(x, vec2,
                      ln_gamma.reshape(1, H), ln_beta.reshape(1, H),
                      W1, b1.reshape(1, H), W2, b2.reshape(1, H3))
    jv = _get_gather_k()(table, src)
    evp = jnp.pad(edge_vector, ((0, 0), (0, 5)))
    m = _messages(edge_rbf, jv, evp, Wrbf, brbf.reshape(1, H3))

    dst_r = dst.reshape(NS, _NBS, _BS)
    zeros = jnp.zeros((_FR, H), jnp.float32)
    out4 = _get_scatter_k()(m, dst_r, zeros)
    dx = out4[0]
    dvec = jnp.transpose(out4[1:], (1, 0, 2))
    return dx, dvec

# --- scband reference (transcript-rebuilt; emitter-appended) ---
"""Pipeline reference for scband-pai-nn-89120571392223 (READ-ONLY COPY).

The authoritative reference and input builder live on the scoring server;
editing this copy changes nothing except your own understanding.
"""

import jax, jax.numpy as jnp
import numpy as np
import math

N = 10000
E = 160000
H = 128
NUM_RBF = 128

_SILU_SCALE = 1.0 / 0.6

def scaled_silu(x):
    return jax.nn.silu(x) * _SILU_SCALE

def layer_norm(x, gamma, beta, eps=1e-5):
    mean = jnp.mean(x, axis=-1, keepdims=True)
    var = jnp.var(x, axis=-1, keepdims=True)
    return (x - mean) / jnp.sqrt(var + eps) * gamma + beta

def setup_inputs(seed: int = 0) -> dict:
    key = jax.random.key(seed)
    ks = jax.random.split(key, 12)
    x = jax.random.normal(ks[0], (N, H), dtype=jnp.float32)
    vec = jax.random.normal(ks[1], (N, 3, H), dtype=jnp.float32)
    edge_index = jax.random.randint(ks[2], (2, E), 0, N, dtype=jnp.int64)
    edge_rbf = jax.random.uniform(ks[3], (E, NUM_RBF), dtype=jnp.float32)
    edge_vector = jax.random.normal(ks[4], (E, 3), dtype=jnp.float32)
    # Parameters (stored as [in, out] so y = x @ W + b)
    W1 = jax.random.normal(ks[5], (H, H), dtype=jnp.float32) * (1.0 / math.sqrt(H))
    b1 = jnp.zeros((H,), dtype=jnp.float32)
    W2 = jax.random.normal(ks[6], (H, 3 * H), dtype=jnp.float32) * (1.0 / math.sqrt(H))
    b2 = jnp.zeros((3 * H,), dtype=jnp.float32)
    Wrbf = jax.random.normal(ks[7], (NUM_RBF, 3 * H), dtype=jnp.float32) * (1.0 / math.sqrt(NUM_RBF))
    brbf = jnp.zeros((3 * H,), dtype=jnp.float32)
    ln_gamma = jnp.ones((H,), dtype=jnp.float32)
    ln_beta = jnp.zeros((H,), dtype=jnp.float32)
    return {
        "x": x, "vec": vec, "edge_index": edge_index,
        "edge_rbf": edge_rbf, "edge_vector": edge_vector,
        "ln_gamma": ln_gamma, "ln_beta": ln_beta,
        "W1": W1, "b1": b1, "W2": W2, "b2": b2,
        "Wrbf": Wrbf, "brbf": brbf,
    }

def reference(x, vec, edge_index, edge_rbf, edge_vector,
              ln_gamma, ln_beta, W1, b1, W2, b2, Wrbf, brbf):
    inv_sqrt_3 = 1.0 / math.sqrt(3.0)
    inv_sqrt_h = 1.0 / math.sqrt(H)
    # x_proj(x_layernorm(x))
    xh = layer_norm(x, ln_gamma, ln_beta)
    xh = scaled_silu(xh @ W1 + b1)
    xh = xh @ W2 + b2  # [N, 3H]
    # rbf_proj
    rbfh = edge_rbf @ Wrbf + brbf  # [E, 3H]
    # message: j = edge_index[0] (source), i = edge_index[1] (target)
    src = edge_index[0]
    dst = edge_index[1]
    xh_j = jnp.take(xh, src, axis=0)       # [E, 3H]
    vec_j = jnp.take(vec, src, axis=0)     # [E, 3, H]
    prod = xh_j * rbfh
    x_m = prod[:, :H]
    xh2 = prod[:, H:2 * H] * inv_sqrt_3
    xh3 = prod[:, 2 * H:]
    vec_m = vec_j * xh2[:, None, :] + xh3[:, None, :] * edge_vector[:, :, None]
    vec_m = vec_m * inv_sqrt_h
    # aggregate: scatter-add at dst
    dx = jax.ops.segment_sum(x_m, dst, num_segments=N)
    dvec = jax.ops.segment_sum(vec_m, dst, num_segments=N)
    return (dx, dvec)

if __name__ == "__main__":
    import jax
    _d = setup_inputs()
    print(jax.jit(kernel)(*tuple(_d.values())))

</pallas_src>

<mosaic_0001>
#map = affine_map<(d0, d1) -> (0, 0)>
#map1 = affine_map<(d0, d1) -> (0)>
module attributes {stable_mosaic.version = 14 : i64} {
  func.func @_gather_body(%arg0: i32, %arg1: i32, %arg2: memref<10000x768xf32, #tpu.memory_space<hbm>>, %arg3: memref<160000xi32, #tpu.memory_space<hbm>>, %arg4: memref<160000x768xf32, #tpu.memory_space<hbm>>, %arg5: memref<128xi32, #tpu.memory_space<vmem>>, %arg6: memref<8xi32, #tpu.memory_space<vmem>>, %arg7: memref<128x768xf32, #tpu.memory_space<vmem>>, %arg8: memref<!tpu.dma_semaphore, #tpu.memory_space<semaphore_mem>>) attributes {dimension_semantics = [#tpu.dimension_semantics<core_parallel>, #tpu.dimension_semantics<subcore_parallel>], iteration_bounds = array<i64: 2, 16>, scalar_prefetch = 0 : i64, scratch_operands = 4 : i64, tpu.core_type = #tpu.core_type<sc_vector_subcore>, window_params = [{transform_indices = #map}, {transform_indices = #map1}, {transform_indices = #map}]} {
    %mul3A = arith.constant 2 : i32
    %mul3A_0 = arith.muli %arg1, %mul3A : i32
    %add3A = arith.addi %mul3A_0, %arg0 : i32
    %mul3A_1 = arith.constant 5000 : i32
    %mul3A_2 = arith.muli %add3A, %mul3A_1 : i32
    %scan3A = arith.constant 0 : i32
    %scan3A_3 = arith.constant 0 : i32
    %scan3A_4 = arith.constant 39 : i32
    %scan3A_5 = arith.addi %scan3A_3, %scan3A_4 : i32
    %scan3A_6 = arith.constant 1 : i32
    scf.for %scan3A_20 = %scan3A_3 to %scan3A_5 step %scan3A_6  : i32 {
      %mul3A_21 = arith.constant 128 : i32
      %mul3A_22 = arith.muli %scan3A_20, %mul3A_21 : i32
      %add3A_23 = arith.addi %mul3A_2, %mul3A_22 : i32
      "tpu.region"() ({
        %run_scoped3A = tpu.sem_alloc : memref<!tpu.dma_semaphore, #tpu.memory_space<semaphore_mem>>
        %dma_start3A_30 = tpu.memref_slice %arg3[%add3A_23] : memref<160000xi32, #tpu.memory_space<hbm>> -> memref<128xi32, #tpu.memory_space<hbm>>
        %dma_start3A_31 = tpu.memref_slice %arg3[%add3A_23] : memref<160000xi32, #tpu.memory_space<hbm>> -> memref<128xi32, #tpu.memory_space<hbm>>
        tpu.enqueue_dma source(%dma_start3A_31 : memref<128xi32, #tpu.memory_space<hbm>>) target(%arg5 : memref<128xi32, #tpu.memory_space<vmem>>) target_semaphore(%run_scoped3A : memref<!tpu.dma_semaphore, #tpu.memory_space<semaphore_mem>>)
        %dma_wait3A_32 = tpu.memref_slice %arg3[%add3A_23] : memref<160000xi32, #tpu.memory_space<hbm>> -> memref<128xi32, #tpu.memory_space<hbm>>
        %dma_wait3A_33 = tpu.memref_slice %arg3[%add3A_23] : memref<160000xi32, #tpu.memory_space<hbm>> -> memref<128xi32, #tpu.memory_space<hbm>>
        tpu.wait_dma2 semaphore(%run_scoped3A : memref<!tpu.dma_semaphore, #tpu.memory_space<semaphore_mem>>) src(%dma_wait3A_33 : memref<128xi32, #tpu.memory_space<hbm>>) dst(%arg5 : memref<128xi32, #tpu.memory_space<vmem>>)
        tpu.yield
      }) : () -> ()
      %dma_start3A_24 = arith.constant 0 : i32
      %dma_start3A_25 = arith.constant 0 : i32
      %dma_start3A_26 = tpu.memref_slice %arg2[%dma_start3A_24, %dma_start3A_25] : memref<10000x768xf32, #tpu.memory_space<hbm>> -> memref<10000x768xf32, #tpu.memory_space<hbm>>
      tpu.enqueue_indirect_dma source(%dma_start3A_26 : memref<10000x768xf32, #tpu.memory_space<hbm>>) target(%arg7 : memref<128x768xf32, #tpu.memory_space<vmem>>) offsets(%arg5 : memref<128xi32, #tpu.memory_space<vmem>>) semaphore(%arg8 : memref<!tpu.dma_semaphore, #tpu.memory_space<semaphore_mem>>)
      %dma_wait3A_27 = arith.constant 0 : i32
      %dma_wait3A_28 = arith.constant 0 : i32
      %dma_wait3A_29 = tpu.memref_slice %arg2[%dma_wait3A_27, %dma_wait3A_28] : memref<10000x768xf32, #tpu.memory_space<hbm>> -> memref<10000x768xf32, #tpu.memory_space<hbm>>
      tpu.wait_indirect_dma semaphore(%arg8 : memref<!tpu.dma_semaphore, #tpu.memory_space<semaphore_mem>>) src(%dma_wait3A_29 : memref<10000x768xf32, #tpu.memory_space<hbm>>) dst(%arg7 : memref<128x768xf32, #tpu.memory_space<vmem>>)
      "tpu.region"() ({
        %run_scoped3A = tpu.sem_alloc : memref<!tpu.dma_semaphore, #tpu.memory_space<semaphore_mem>>
        %dma_start3A_30 = arith.constant 0 : i32
        %dma_start3A_31 = tpu.memref_slice %arg4[%add3A_23, %dma_start3A_30] : memref<160000x768xf32, #tpu.memory_space<hbm>> -> memref<128x768xf32, #tpu.memory_space<hbm>>
        %dma_start3A_32 = arith.constant 0 : i32
        %dma_start3A_33 = tpu.memref_slice %arg4[%add3A_23, %dma_start3A_32] : memref<160000x768xf32, #tpu.memory_space<hbm>> -> memref<128x768xf32, #tpu.memory_space<hbm>>
        tpu.enqueue_dma source(%arg7 : memref<128x768xf32, #tpu.memory_space<vmem>>) target(%dma_start3A_33 : memref<128x768xf32, #tpu.memory_space<hbm>>) target_semaphore(%run_scoped3A : memref<!tpu.dma_semaphore, #tpu.memory_space<semaphore_mem>>)
        %dma_wait3A_34 = arith.constant 0 : i32
        %dma_wait3A_35 = tpu.memref_slice %arg4[%add3A_23, %dma_wait3A_34] : memref<160000x768xf32, #tpu.memory_space<hbm>> -> memref<128x768xf32, #tpu.memory_space<hbm>>
        %dma_wait3A_36 = arith.constant 0 : i32
        %dma_wait3A_37 = tpu.memref_slice %arg4[%add3A_23, %dma_wait3A_36] : memref<160000x768xf32, #tpu.memory_space<hbm>> -> memref<128x768xf32, #tpu.memory_space<hbm>>
        tpu.wait_dma2 semaphore(%run_scoped3A : memref<!tpu.dma_semaphore, #tpu.memory_space<semaphore_mem>>) src(%arg7 : memref<128x768xf32, #tpu.memory_space<vmem>>) dst(%dma_wait3A_37 : memref<128x768xf32, #tpu.memory_space<hbm>>)
        tpu.yield
      }) : () -> ()
    }
    %scan3A_7 = arith.constant 39 : i32
    %add3A_8 = arith.constant 4992 : i32
    %add3A_9 = arith.addi %mul3A_2, %add3A_8 : i32
    "tpu.region"() ({
      %run_scoped3A = tpu.sem_alloc : memref<!tpu.dma_semaphore, #tpu.memory_space<semaphore_mem>>
      %dma_start3A_20 = tpu.memref_slice %arg3[%add3A_9] : memref<160000xi32, #tpu.memory_space<hbm>> -> memref<8xi32, #tpu.memory_space<hbm>>
      %dma_start3A_21 = tpu.memref_slice %arg3[%add3A_9] : memref<160000xi32, #tpu.memory_space<hbm>> -> memref<8xi32, #tpu.memory_space<hbm>>
      tpu.enqueue_dma source(%dma_start3A_21 : memref<8xi32, #tpu.memory_space<hbm>>) target(%arg6 : memref<8xi32, #tpu.memory_space<vmem>>) target_semaphore(%run_scoped3A : memref<!tpu.dma_semaphore, #tpu.memory_space<semaphore_mem>>)
      %dma_wait3A_22 = tpu.memref_slice %arg3[%add3A_9] : memref<160000xi32, #tpu.memory_space<hbm>> -> memref<8xi32, #tpu.memory_space<hbm>>
      %dma_wait3A_23 = tpu.memref_slice %arg3[%add3A_9] : memref<160000xi32, #tpu.memory_space<hbm>> -> memref<8xi32, #tpu.memory_space<hbm>>
      tpu.wait_dma2 semaphore(%run_scoped3A : memref<!tpu.dma_semaphore, #tpu.memory_space<semaphore_mem>>) src(%dma_wait3A_23 : memref<8xi32, #tpu.memory_space<hbm>>) dst(%arg6 : memref<8xi32, #tpu.memory_space<vmem>>)
      tpu.yield
    }) : () -> ()
    %dma_start3A = arith.constant 0 : i32
    %dma_start3A_10 = arith.constant 0 : i32
    %dma_start3A_11 = tpu.memref_slice %arg7[%dma_start3A, %dma_start3A_10] : memref<128x768xf32, #tpu.memory_space<vmem>> -> memref<8x768xf32, #tpu.memory_space<vmem>>
    %dma_start3A_12 = arith.constant 0 : i32
    %dma_start3A_13 = arith.constant 0 : i32
    %dma_start3A_14 = tpu.memref_slice %arg2[%dma_start3A_12, %dma_start3A_13] : memref<10000x768xf32, #tpu.memory_space<hbm>> -> memref<10000x768xf32, #tpu.memory_space<hbm>>
    tpu.enqueue_indirect_dma source(%dma_start3A_14 : memref<10000x768xf32, #tpu.memory_space<hbm>>) target(%dma_start3A_11 : memref<8x768xf32, #tpu.memory_space<vmem>>) offsets(%arg6 : memref<8xi32, #tpu.memory_space<vmem>>) semaphore(%arg8 : memref<!tpu.dma_semaphore, #tpu.memory_space<semaphore_mem>>)
    %dma_wait3A = arith.constant 0 : i32
    %dma_wait3A_15 = arith.constant 0 : i32
    %dma_wait3A_16 = tpu.memref_slice %arg7[%dma_wait3A, %dma_wait3A_15] : memref<128x768xf32, #tpu.memory_space<vmem>> -> memref<8x768xf32, #tpu.memory_space<vmem>>
    %dma_wait3A_17 = arith.constant 0 : i32
    %dma_wait3A_18 = arith.constant 0 : i32
    %dma_wait3A_19 = tpu.memref_slice %arg2[%dma_wait3A_17, %dma_wait3A_18] : memref<10000x768xf32, #tpu.memory_space<hbm>> -> memref<10000x768xf32, #tpu.memory_space<hbm>>
    tpu.wait_indirect_dma semaphore(%arg8 : memref<!tpu.dma_semaphore, #tpu.memory_space<semaphore_mem>>) src(%dma_wait3A_19 : memref<10000x768xf32, #tpu.memory_space<hbm>>) dst(%dma_wait3A_16 : memref<8x768xf32, #tpu.memory_space<vmem>>)
    "tpu.region"() ({
      %run_scoped3A = tpu.sem_alloc : memref<!tpu.dma_semaphore, #tpu.memory_space<semaphore_mem>>
      %dma_start3A_20 = arith.constant 0 : i32
      %dma_start3A_21 = arith.constant 0 : i32
      %dma_start3A_22 = tpu.memref_slice %arg7[%dma_start3A_20, %dma_start3A_21] : memref<128x768xf32, #tpu.memory_space<vmem>> -> memref<8x768xf32, #tpu.memory_space<vmem>>
      %dma_start3A_23 = arith.constant 0 : i32
      %dma_start3A_24 = tpu.memref_slice %arg4[%add3A_9, %dma_start3A_23] : memref<160000x768xf32, #tpu.memory_space<hbm>> -> memref<8x768xf32, #tpu.memory_space<hbm>>
      %dma_start3A_25 = arith.constant 0 : i32
      %dma_start3A_26 = tpu.memref_slice %arg4[%add3A_9, %dma_start3A_25] : memref<160000x768xf32, #tpu.memory_space<hbm>> -> memref<8x768xf32, #tpu.memory_space<hbm>>
      %dma_start3A_27 = arith.constant 0 : i32
      %dma_start3A_28 = arith.constant 0 : i32
      %dma_start3A_29 = tpu.memref_slice %arg7[%dma_start3A_27, %dma_start3A_28] : memref<128x768xf32, #tpu.memory_space<vmem>> -> memref<8x768xf32, #tpu.memory_space<vmem>>
      tpu.enqueue_dma source(%dma_start3A_29 : memref<8x768xf32, #tpu.memory_space<vmem>>) target(%dma_start3A_26 : memref<8x768xf32, #tpu.memory_space<hbm>>) target_semaphore(%run_scoped3A : memref<!tpu.dma_semaphore, #tpu.memory_space<semaphore_mem>>)
      %dma_wait3A_30 = arith.constant 0 : i32
      %dma_wait3A_31 = arith.constant 0 : i32
      %dma_wait3A_32 = tpu.memref_slice %arg7[%dma_wait3A_30, %dma_wait3A_31] : memref<128x768xf32, #tpu.memory_space<vmem>> -> memref<8x768xf32, #tpu.memory_space<vmem>>
      %dma_wait3A_33 = arith.constant 0 : i32
      %dma_wait3A_34 = tpu.memref_slice %arg4[%add3A_9, %dma_wait3A_33] : memref<160000x768xf32, #tpu.memory_space<hbm>> -> memref<8x768xf32, #tpu.memory_space<hbm>>
      %dma_wait3A_35 = arith.constant 0 : i32
      %dma_wait3A_36 = tpu.memref_slice %arg4[%add3A_9, %dma_wait3A_35] : memref<160000x768xf32, #tpu.memory_space<hbm>> -> memref<8x768xf32, #tpu.memory_space<hbm>>
      %dma_wait3A_37 = arith.constant 0 : i32
      %dma_wait3A_38 = arith.constant 0 : i32
      %dma_wait3A_39 = tpu.memref_slice %arg7[%dma_wait3A_37, %dma_wait3A_38] : memref<128x768xf32, #tpu.memory_space<vmem>> -> memref<8x768xf32, #tpu.memory_space<vmem>>
      tpu.wait_dma2 semaphore(%run_scoped3A : memref<!tpu.dma_semaphore, #tpu.memory_space<semaphore_mem>>) src(%dma_wait3A_39 : memref<8x768xf32, #tpu.memory_space<vmem>>) dst(%dma_wait3A_36 : memref<8x768xf32, #tpu.memory_space<hbm>>)
      tpu.yield
    }) : () -> ()
    return
  }
}

#map = affine_map<(d0, d1) -> (0, 0)>
#map1 = affine_map<(d0, d1) -> (0, 0, 0)>
module attributes {stable_mosaic.version = 14 : i64} {
  func.func @_scatter_body(%arg0: i32, %arg1: i32, %arg2: memref<160000x512xf32, #tpu.memory_space<hbm>>, %arg3: memref<16x125x80xi32, #tpu.memory_space<hbm>>, %arg4: memref<1000x128xf32, #tpu.memory_space<hbm>>, %arg5: memref<4x10000x128xf32, #tpu.memory_space<hbm>>, %arg6: memref<125x80xi32, #tpu.memory_space<vmem>>, %arg7: memref<80x128xf32, #tpu.memory_space<vmem>>, %arg8: memref<10000x128xf32, #tpu.memory_space<vmem_shared>>) attributes {dimension_semantics = [#tpu.dimension_semantics<core_parallel>, #tpu.dimension_semantics<subcore_parallel>], iteration_bounds = array<i64: 2, 16>, scalar_prefetch = 0 : i64, scratch_operands = 3 : i64, tpu.core_type = #tpu.core_type<sc_vector_subcore>, window_params = [{transform_indices = #map}, {transform_indices = #map1}, {transform_indices = #map}, {transform_indices = #map1}]} {
    "tpu.region"() ({
      %run_scoped3A = tpu.sem_alloc : memref<!tpu.dma_semaphore, #tpu.memory_space<semaphore_mem>>
      %dma_start3A = arith.constant 0 : i32
      %dma_start3A_36 = arith.constant 0 : i32
      %dma_start3A_37 = tpu.memref_slice %arg3[%arg1, %dma_start3A, %dma_start3A_36] : memref<16x125x80xi32, #tpu.memory_space<hbm>> -> memref<1x125x80xi32, #tpu.memory_space<hbm>>
      %dma_start3A_38 = tpu.memref_squeeze %dma_start3A_37 : memref<1x125x80xi32, #tpu.memory_space<hbm>> -> memref<125x80xi32, #tpu.memory_space<hbm>>
      %dma_start3A_39 = arith.constant 0 : i32
      %dma_start3A_40 = arith.constant 0 : i32
      %dma_start3A_41 = tpu.memref_slice %arg3[%arg1, %dma_start3A_39, %dma_start3A_40] : memref<16x125x80xi32, #tpu.memory_space<hbm>> -> memref<1x125x80xi32, #tpu.memory_space<hbm>>
      %dma_start3A_42 = tpu.memref_squeeze %dma_start3A_41 : memref<1x125x80xi32, #tpu.memory_space<hbm>> -> memref<125x80xi32, #tpu.memory_space<hbm>>
      tpu.enqueue_dma source(%dma_start3A_42 : memref<125x80xi32, #tpu.memory_space<hbm>>) target(%arg6 : memref<125x80xi32, #tpu.memory_space<vmem>>) target_semaphore(%run_scoped3A : memref<!tpu.dma_semaphore, #tpu.memory_space<semaphore_mem>>)
      %dma_wait3A = arith.constant 0 : i32
      %dma_wait3A_43 = arith.constant 0 : i32
      %dma_wait3A_44 = tpu.memref_slice %arg3[%arg1, %dma_wait3A, %dma_wait3A_43] : memref<16x125x80xi32, #tpu.memory_space<hbm>> -> memref<1x125x80xi32, #tpu.memory_space<hbm>>
      %dma_wait3A_45 = tpu.memref_squeeze %dma_wait3A_44 : memref<1x125x80xi32, #tpu.memory_space<hbm>> -> memref<125x80xi32, #tpu.memory_space<hbm>>
      %dma_wait3A_46 = arith.constant 0 : i32
      %dma_wait3A_47 = arith.constant 0 : i32
      %dma_wait3A_48 = tpu.memref_slice %arg3[%arg1, %dma_wait3A_46, %dma_wait3A_47] : memref<16x125x80xi32, #tpu.memory_space<hbm>> -> memref<1x125x80xi32, #tpu.memory_space<hbm>>
      %dma_wait3A_49 = tpu.memref_squeeze %dma_wait3A_48 : memref<1x125x80xi32, #tpu.memory_space<hbm>> -> memref<125x80xi32, #tpu.memory_space<hbm>>
      tpu.wait_dma2 semaphore(%run_scoped3A : memref<!tpu.dma_semaphore, #tpu.memory_space<semaphore_mem>>) src(%dma_wait3A_49 : memref<125x80xi32, #tpu.memory_space<hbm>>) dst(%arg6 : memref<125x80xi32, #tpu.memory_space<vmem>>)
      tpu.yield
    }) : () -> ()
    %add3A = arith.constant 0 : i32
    %add3A_0 = arith.addi %add3A, %arg0 : i32
    %lt3A = arith.constant 10 : i32
    %lt3A_1 = arith.cmpi slt, %arg1, %lt3A : i32
    %convert_element_type3A = arith.extui %lt3A_1 : i1 to i32
    %cond3A = arith.constant 0 : i32
    %cond3A_2 = arith.cmpi ne, %convert_element_type3A, %cond3A : i32
    scf.if %cond3A_2 {
      %mul3A = arith.constant 1000 : i32
      %mul3A_36 = arith.muli %arg1, %mul3A : i32
      "tpu.region"() ({
        %run_scoped3A = tpu.sem_alloc : memref<!tpu.dma_semaphore, #tpu.memory_space<semaphore_mem>>
        %dma_start3A = arith.constant 0 : i32
        %dma_start3A_37 = tpu.memref_slice %arg8[%mul3A_36, %dma_start3A] : memref<10000x128xf32, #tpu.memory_space<vmem_shared>> -> memref<1000x128xf32, #tpu.memory_space<vmem_shared>>
        tpu.enqueue_dma source(%arg4 : memref<1000x128xf32, #tpu.memory_space<hbm>>) target(%dma_start3A_37 : memref<1000x128xf32, #tpu.memory_space<vmem_shared>>) target_semaphore(%run_scoped3A : memref<!tpu.dma_semaphore, #tpu.memory_space<semaphore_mem>>)
        %dma_wait3A = arith.constant 0 : i32
        %dma_wait3A_38 = tpu.memref_slice %arg8[%mul3A_36, %dma_wait3A] : memref<10000x128xf32, #tpu.memory_space<vmem_shared>> -> memref<1000x128xf32, #tpu.memory_space<vmem_shared>>
        tpu.wait_dma2 semaphore(%run_scoped3A : memref<!tpu.dma_semaphore, #tpu.memory_space<semaphore_mem>>) src(%arg4 : memref<1000x128xf32, #tpu.memory_space<hbm>>) dst(%dma_wait3A_38 : memref<1000x128xf32, #tpu.memory_space<vmem_shared>>)
        tpu.yield
      }) : () -> ()
    } else {
    }
    %barrier3A = arith.constant 0 : index
    tpu.barrier barrier_id(%barrier3A)
    %scan3A = arith.constant 0 : i32
    %scan3A_3 = arith.constant 0 : i32
    %scan3A_4 = arith.constant 125 : i32
    %scan3A_5 = arith.addi %scan3A_3, %scan3A_4 : i32
    %scan3A_6 = arith.constant 1 : i32
    scf.for %scan3A_36 = %scan3A_3 to %scan3A_5 step %scan3A_6  : i32 {
      %mul3A = arith.constant 10000 : i32
      %mul3A_37 = arith.muli %arg1, %mul3A : i32
      %mul3A_38 = arith.constant 80 : i32
      %mul3A_39 = arith.muli %scan3A_36, %mul3A_38 : i32
      %add3A_40 = arith.addi %mul3A_37, %mul3A_39 : i32
      %mul3A_41 = arith.constant 128 : i32
      %mul3A_42 = arith.muli %add3A_0, %mul3A_41 : i32
      "tpu.region"() ({
        %run_scoped3A = tpu.sem_alloc : memref<!tpu.dma_semaphore, #tpu.memory_space<semaphore_mem>>
        %dma_start3A = tpu.memref_slice %arg2[%add3A_40, %mul3A_42] : memref<160000x512xf32, #tpu.memory_space<hbm>> -> memref<80x128xf32, #tpu.memory_space<hbm>>
        %dma_start3A_43 = tpu.memref_slice %arg2[%add3A_40, %mul3A_42] : memref<160000x512xf32, #tpu.memory_space<hbm>> -> memref<80x128xf32, #tpu.memory_space<hbm>>
        tpu.enqueue_dma source(%dma_start3A_43 : memref<80x128xf32, #tpu.memory_space<hbm>>) target(%arg7 : memref<80x128xf32, #tpu.memory_space<vmem>>) target_semaphore(%run_scoped3A : memref<!tpu.dma_semaphore, #tpu.memory_space<semaphore_mem>>)
        %dma_wait3A = tpu.memref_slice %arg2[%add3A_40, %mul3A_42] : memref<160000x512xf32, #tpu.memory_space<hbm>> -> memref<80x128xf32, #tpu.memory_space<hbm>>
        %dma_wait3A_44 = tpu.memref_slice %arg2[%add3A_40, %mul3A_42] : memref<160000x512xf32, #tpu.memory_space<hbm>> -> memref<80x128xf32, #tpu.memory_space<hbm>>
        tpu.wait_dma2 semaphore(%run_scoped3A : memref<!tpu.dma_semaphore, #tpu.memory_space<semaphore_mem>>) src(%dma_wait3A_44 : memref<80x128xf32, #tpu.memory_space<hbm>>) dst(%arg7 : memref<80x128xf32, #tpu.memory_space<vmem>>)
        tpu.yield
      }) : () -> ()
      "tpu.region"() ({
        %run_scoped3A = tpu.sem_alloc : memref<!tpu.dma_semaphore, #tpu.memory_space<semaphore_mem>>
        %dma_start3A = arith.constant 0 : i32
        %dma_start3A_43 = tpu.memref_slice %arg6[%scan3A_36, %dma_start3A] : memref<125x80xi32, #tpu.memory_space<vmem>> -> memref<1x80xi32, #tpu.memory_space<vmem>>
        %dma_start3A_44 = tpu.memref_squeeze %dma_start3A_43 : memref<1x80xi32, #tpu.memory_space<vmem>> -> memref<80xi32, #tpu.memory_space<vmem>>
        %dma_start3A_45 = arith.constant 0 : i32
        %dma_start3A_46 = arith.constant 0 : i32
        %dma_start3A_47 = tpu.memref_slice %arg8[%dma_start3A_45, %dma_start3A_46] : memref<10000x128xf32, #tpu.memory_space<vmem_shared>> -> memref<10000x128xf32, #tpu.memory_space<vmem_shared>>
        tpu.enqueue_indirect_dma source(%arg7 : memref<80x128xf32, #tpu.memory_space<vmem>>) target(%dma_start3A_47 : memref<10000x128xf32, #tpu.memory_space<vmem_shared>>) offsets(%dma_start3A_44 : memref<80xi32, #tpu.memory_space<vmem>>) semaphore(%run_scoped3A : memref<!tpu.dma_semaphore, #tpu.memory_space<semaphore_mem>>) {add = true}
        %dma_wait3A = arith.constant 0 : i32
        %dma_wait3A_48 = tpu.memref_slice %arg6[%scan3A_36, %dma_wait3A] : memref<125x80xi32, #tpu.memory_space<vmem>> -> memref<1x80xi32, #tpu.memory_space<vmem>>
        %dma_wait3A_49 = tpu.memref_squeeze %dma_wait3A_48 : memref<1x80xi32, #tpu.memory_space<vmem>> -> memref<80xi32, #tpu.memory_space<vmem>>
        %dma_wait3A_50 = arith.constant 0 : i32
        %dma_wait3A_51 = arith.constant 0 : i32
        %dma_wait3A_52 = tpu.memref_slice %arg8[%dma_wait3A_50, %dma_wait3A_51] : memref<10000x128xf32, #tpu.memory_space<vmem_shared>> -> memref<10000x128xf32, #tpu.memory_space<vmem_shared>>
        tpu.wait_indirect_dma semaphore(%run_scoped3A : memref<!tpu.dma_semaphore, #tpu.memory_space<semaphore_mem>>) src(%arg7 : memref<80x128xf32, #tpu.memory_space<vmem>>) dst(%dma_wait3A_52 : memref<10000x128xf32, #tpu.memory_space<vmem_shared>>)
        tpu.yield
      }) : () -> ()
    }
    %scan3A_7 = arith.constant 125 : i32
    %barrier3A_8 = arith.constant 0 : index
    tpu.barrier barrier_id(%barrier3A_8)
    %lt3A_9 = arith.constant 10 : i32
    %lt3A_10 = arith.cmpi slt, %arg1, %lt3A_9 : i32
    %convert_element_type3A_11 = arith.extui %lt3A_10 : i1 to i32
    %cond3A_12 = arith.constant 0 : i32
    %cond3A_13 = arith.cmpi ne, %convert_element_type3A_11, %cond3A_12 : i32
    scf.if %cond3A_13 {
      %mul3A = arith.constant 1000 : i32
      %mul3A_36 = arith.muli %arg1, %mul3A : i32
      %mul3A_37 = arith.constant 1000 : i32
      %mul3A_38 = arith.muli %arg1, %mul3A_37 : i32
      "tpu.region"() ({
        %run_scoped3A = tpu.sem_alloc : memref<!tpu.dma_semaphore, #tpu.memory_space<semaphore_mem>>
        %dma_start3A = arith.constant 0 : i32
        %dma_start3A_39 = tpu.memref_slice %arg5[%add3A_0, %mul3A_38, %dma_start3A] : memref<4x10000x128xf32, #tpu.memory_space<hbm>> -> memref<1x1000x128xf32, #tpu.memory_space<hbm>>
        %dma_start3A_40 = tpu.memref_squeeze %dma_start3A_39 : memref<1x1000x128xf32, #tpu.memory_space<hbm>> -> memref<1000x128xf32, #tpu.memory_space<hbm>>
        %dma_start3A_41 = arith.constant 0 : i32
        %dma_start3A_42 = tpu.memref_slice %arg8[%mul3A_36, %dma_start3A_41] : memref<10000x128xf32, #tpu.memory_space<vmem_shared>> -> memref<1000x128xf32, #tpu.memory_space<vmem_shared>>
        tpu.enqueue_dma source(%dma_start3A_42 : memref<1000x128xf32, #tpu.memory_space<vmem_shared>>) target(%dma_start3A_40 : memref<1000x128xf32, #tpu.memory_space<hbm>>) target_semaphore(%run_scoped3A : memref<!tpu.dma_semaphore, #tpu.memory_space<semaphore_mem>>)
        %dma_wait3A = arith.constant 0 : i32
        %dma_wait3A_43 = tpu.memref_slice %arg5[%add3A_0, %mul3A_38, %dma_wait3A] : memref<4x10000x128xf32, #tpu.memory_space<hbm>> -> memref<1x1000x128xf32, #tpu.memory_space<hbm>>
        %dma_wait3A_44 = tpu.memref_squeeze %dma_wait3A_43 : memref<1x1000x128xf32, #tpu.memory_space<hbm>> -> memref<1000x128xf32, #tpu.memory_space<hbm>>
        %dma_wait3A_45 = arith.constant 0 : i32
        %dma_wait3A_46 = tpu.memref_slice %arg8[%mul3A_36, %dma_wait3A_45] : memref<10000x128xf32, #tpu.memory_space<vmem_shared>> -> memref<1000x128xf32, #tpu.memory_space<vmem_shared>>
        tpu.wait_dma2 semaphore(%run_scoped3A : memref<!tpu.dma_semaphore, #tpu.memory_space<semaphore_mem>>) src(%dma_wait3A_46 : memref<1000x128xf32, #tpu.memory_space<vmem_shared>>) dst(%dma_wait3A_44 : memref<1000x128xf32, #tpu.memory_space<hbm>>)
        tpu.yield
      }) : () -> ()
    } else {
    }
    %barrier3A_14 = arith.constant 0 : index
    tpu.barrier barrier_id(%barrier3A_14)
    %add3A_15 = arith.constant 2 : i32
    %add3A_16 = arith.addi %add3A_15, %arg0 : i32
    %lt3A_17 = arith.constant 10 : i32
    %lt3A_18 = arith.cmpi slt, %arg1, %lt3A_17 : i32
    %convert_element_type3A_19 = arith.extui %lt3A_18 : i1 to i32
    %cond3A_20 = arith.constant 0 : i32
    %cond3A_21 = arith.cmpi ne, %convert_element_type3A_19, %cond3A_20 : i32
    scf.if %cond3A_21 {
      %mul3A = arith.constant 1000 : i32
      %mul3A_36 = arith.muli %arg1, %mul3A : i32
      "tpu.region"() ({
        %run_scoped3A = tpu.sem_alloc : memref<!tpu.dma_semaphore, #tpu.memory_space<semaphore_mem>>
        %dma_start3A = arith.constant 0 : i32
        %dma_start3A_37 = tpu.memref_slice %arg8[%mul3A_36, %dma_start3A] : memref<10000x128xf32, #tpu.memory_space<vmem_shared>> -> memref<1000x128xf32, #tpu.memory_space<vmem_shared>>
        tpu.enqueue_dma source(%arg4 : memref<1000x128xf32, #tpu.memory_space<hbm>>) target(%dma_start3A_37 : memref<1000x128xf32, #tpu.memory_space<vmem_shared>>) target_semaphore(%run_scoped3A : memref<!tpu.dma_semaphore, #tpu.memory_space<semaphore_mem>>)
        %dma_wait3A = arith.constant 0 : i32
        %dma_wait3A_38 = tpu.memref_slice %arg8[%mul3A_36, %dma_wait3A] : memref<10000x128xf32, #tpu.memory_space<vmem_shared>> -> memref<1000x128xf32, #tpu.memory_space<vmem_shared>>
        tpu.wait_dma2 semaphore(%run_scoped3A : memref<!tpu.dma_semaphore, #tpu.memory_space<semaphore_mem>>) src(%arg4 : memref<1000x128xf32, #tpu.memory_space<hbm>>) dst(%dma_wait3A_38 : memref<1000x128xf32, #tpu.memory_space<vmem_shared>>)
        tpu.yield
      }) : () -> ()
    } else {
    }
    %barrier3A_22 = arith.constant 0 : index
    tpu.barrier barrier_id(%barrier3A_22)
    %scan3A_23 = arith.constant 0 : i32
    %scan3A_24 = arith.constant 0 : i32
    %scan3A_25 = arith.constant 125 : i32
    %scan3A_26 = arith.addi %scan3A_24, %scan3A_25 : i32
    %scan3A_27 = arith.constant 1 : i32
    scf.for %scan3A_36 = %scan3A_24 to %scan3A_26 step %scan3A_27  : i32 {
      %mul3A = arith.constant 10000 : i32
      %mul3A_37 = arith.muli %arg1, %mul3A : i32
      %mul3A_38 = arith.constant 80 : i32
      %mul3A_39 = arith.muli %scan3A_36, %mul3A_38 : i32
      %add3A_40 = arith.addi %mul3A_37, %mul3A_39 : i32
      %mul3A_41 = arith.constant 128 : i32
      %mul3A_42 = arith.muli %add3A_16, %mul3A_41 : i32
      "tpu.region"() ({
        %run_scoped3A = tpu.sem_alloc : memref<!tpu.dma_semaphore, #tpu.memory_space<semaphore_mem>>
        %dma_start3A = tpu.memref_slice %arg2[%add3A_40, %mul3A_42] : memref<160000x512xf32, #tpu.memory_space<hbm>> -> memref<80x128xf32, #tpu.memory_space<hbm>>
        %dma_start3A_43 = tpu.memref_slice %arg2[%add3A_40, %mul3A_42] : memref<160000x512xf32, #tpu.memory_space<hbm>> -> memref<80x128xf32, #tpu.memory_space<hbm>>
        tpu.enqueue_dma source(%dma_start3A_43 : memref<80x128xf32, #tpu.memory_space<hbm>>) target(%arg7 : memref<80x128xf32, #tpu.memory_space<vmem>>) target_semaphore(%run_scoped3A : memref<!tpu.dma_semaphore, #tpu.memory_space<semaphore_mem>>)
        %dma_wait3A = tpu.memref_slice %arg2[%add3A_40, %mul3A_42] : memref<160000x512xf32, #tpu.memory_space<hbm>> -> memref<80x128xf32, #tpu.memory_space<hbm>>
        %dma_wait3A_44 = tpu.memref_slice %arg2[%add3A_40, %mul3A_42] : memref<160000x512xf32, #tpu.memory_space<hbm>> -> memref<80x128xf32, #tpu.memory_space<hbm>>
        tpu.wait_dma2 semaphore(%run_scoped3A : memref<!tpu.dma_semaphore, #tpu.memory_space<semaphore_mem>>) src(%dma_wait3A_44 : memref<80x128xf32, #tpu.memory_space<hbm>>) dst(%arg7 : memref<80x128xf32, #tpu.memory_space<vmem>>)
        tpu.yield
      }) : () -> ()
      "tpu.region"() ({
        %run_scoped3A = tpu.sem_alloc : memref<!tpu.dma_semaphore, #tpu.memory_space<semaphore_mem>>
        %dma_start3A = arith.constant 0 : i32
        %dma_start3A_43 = tpu.memref_slice %arg6[%scan3A_36, %dma_start3A] : memref<125x80xi32, #tpu.memory_space<vmem>> -> memref<1x80xi32, #tpu.memory_space<vmem>>
        %dma_start3A_44 = tpu.memref_squeeze %dma_start3A_43 : memref<1x80xi32, #tpu.memory_space<vmem>> -> memref<80xi32, #tpu.memory_space<vmem>>
        %dma_start3A_45 = arith.constant 0 : i32
        %dma_start3A_46 = arith.constant 0 : i32
        %dma_start3A_47 = tpu.memref_slice %arg8[%dma_start3A_45, %dma_start3A_46] : memref<10000x128xf32, #tpu.memory_space<vmem_shared>> -> memref<10000x128xf32, #tpu.memory_space<vmem_shared>>
        tpu.enqueue_indirect_dma source(%arg7 : memref<80x128xf32, #tpu.memory_space<vmem>>) target(%dma_start3A_47 : memref<10000x128xf32, #tpu.memory_space<vmem_shared>>) offsets(%dma_start3A_44 : memref<80xi32, #tpu.memory_space<vmem>>) semaphore(%run_scoped3A : memref<!tpu.dma_semaphore, #tpu.memory_space<semaphore_mem>>) {add = true}
        %dma_wait3A = arith.constant 0 : i32
        %dma_wait3A_48 = tpu.memref_slice %arg6[%scan3A_36, %dma_wait3A] : memref<125x80xi32, #tpu.memory_space<vmem>> -> memref<1x80xi32, #tpu.memory_space<vmem>>
        %dma_wait3A_49 = tpu.memref_squeeze %dma_wait3A_48 : memref<1x80xi32, #tpu.memory_space<vmem>> -> memref<80xi32, #tpu.memory_space<vmem>>
        %dma_wait3A_50 = arith.constant 0 : i32
        %dma_wait3A_51 = arith.constant 0 : i32
        %dma_wait3A_52 = tpu.memref_slice %arg8[%dma_wait3A_50, %dma_wait3A_51] : memref<10000x128xf32, #tpu.memory_space<vmem_shared>> -> memref<10000x128xf32, #tpu.memory_space<vmem_shared>>
        tpu.wait_indirect_dma semaphore(%run_scoped3A : memref<!tpu.dma_semaphore, #tpu.memory_space<semaphore_mem>>) src(%arg7 : memref<80x128xf32, #tpu.memory_space<vmem>>) dst(%dma_wait3A_52 : memref<10000x128xf32, #tpu.memory_space<vmem_shared>>)
        tpu.yield
      }) : () -> ()
    }
    %scan3A_28 = arith.constant 125 : i32
    %barrier3A_29 = arith.constant 0 : index
    tpu.barrier barrier_id(%barrier3A_29)
    %lt3A_30 = arith.constant 10 : i32
    %lt3A_31 = arith.cmpi slt, %arg1, %lt3A_30 : i32
    %convert_element_type3A_32 = arith.extui %lt3A_31 : i1 to i32
    %cond3A_33 = arith.constant 0 : i32
    %cond3A_34 = arith.cmpi ne, %convert_element_type3A_32, %cond3A_33 : i32
    scf.if %cond3A_34 {
      %mul3A = arith.constant 1000 : i32
      %mul3A_36 = arith.muli %arg1, %mul3A : i32
      %mul3A_37 = arith.constant 1000 : i32
      %mul3A_38 = arith.muli %arg1, %mul3A_37 : i32
      "tpu.region"() ({
        %run_scoped3A = tpu.sem_alloc : memref<!tpu.dma_semaphore, #tpu.memory_space<semaphore_mem>>
        %dma_start3A = arith.constant 0 : i32
        %dma_start3A_39 = tpu.memref_slice %arg5[%add3A_16, %mul3A_38, %dma_start3A] : memref<4x10000x128xf32, #tpu.memory_space<hbm>> -> memref<1x1000x128xf32, #tpu.memory_space<hbm>>
        %dma_start3A_40 = tpu.memref_squeeze %dma_start3A_39 : memref<1x1000x128xf32, #tpu.memory_space<hbm>> -> memref<1000x128xf32, #tpu.memory_space<hbm>>
        %dma_start3A_41 = arith.constant 0 : i32
        %dma_start3A_42 = tpu.memref_slice %arg8[%mul3A_36, %dma_start3A_41] : memref<10000x128xf32, #tpu.memory_space<vmem_shared>> -> memref<1000x128xf32, #tpu.memory_space<vmem_shared>>
        tpu.enqueue_dma source(%dma_start3A_42 : memref<1000x128xf32, #tpu.memory_space<vmem_shared>>) target(%dma_start3A_40 : memref<1000x128xf32, #tpu.memory_space<hbm>>) target_semaphore(%run_scoped3A : memref<!tpu.dma_semaphore, #tpu.memory_space<semaphore_mem>>)
        %dma_wait3A = arith.constant 0 : i32
        %dma_wait3A_43 = tpu.memref_slice %arg5[%add3A_16, %mul3A_38, %dma_wait3A] : memref<4x10000x128xf32, #tpu.memory_space<hbm>> -> memref<1x1000x128xf32, #tpu.memory_space<hbm>>
        %dma_wait3A_44 = tpu.memref_squeeze %dma_wait3A_43 : memref<1x1000x128xf32, #tpu.memory_space<hbm>> -> memref<1000x128xf32, #tpu.memory_space<hbm>>
        %dma_wait3A_45 = arith.constant 0 : i32
        %dma_wait3A_46 = tpu.memref_slice %arg8[%mul3A_36, %dma_wait3A_45] : memref<10000x128xf32, #tpu.memory_space<vmem_shared>> -> memref<1000x128xf32, #tpu.memory_space<vmem_shared>>
        tpu.wait_dma2 semaphore(%run_scoped3A : memref<!tpu.dma_semaphore, #tpu.memory_space<semaphore_mem>>) src(%dma_wait3A_46 : memref<1000x128xf32, #tpu.memory_space<vmem_shared>>) dst(%dma_wait3A_44 : memref<1000x128xf32, #tpu.memory_space<hbm>>)
        tpu.yield
      }) : () -> ()
    } else {
    }
    %barrier3A_35 = arith.constant 0 : index
    tpu.barrier barrier_id(%barrier3A_35)
    return
  }
}

module attributes {stable_mosaic.version = 14 : i64} {
  func.func @_node_mlp_body(%arg0: i32, %arg1: memref<400x128xf32, #tpu.memory_space<vmem>>, %arg2: memref<400x384xf32, #tpu.memory_space<vmem>>, %arg3: memref<1x128xf32, #tpu.memory_space<vmem>>, %arg4: memref<1x128xf32, #tpu.memory_space<vmem>>, %arg5: memref<128x128xf32, #tpu.memory_space<vmem>>, %arg6: memref<1x128xf32, #tpu.memory_space<vmem>>, %arg7: memref<128x384xf32, #tpu.memory_space<vmem>>, %arg8: memref<1x384xf32, #tpu.memory_space<vmem>>, %arg9: memref<400x768xf32, #tpu.memory_space<vmem>>) attributes {dimension_semantics = [#tpu.dimension_semantics<arbitrary>], iteration_bounds = array<i64: 25>, scalar_prefetch = 0 : i64, scratch_operands = 0 : i64, tpu.core_type = #tpu.core_type<tc>, window_params = [{transform_indices = @transform_0, window_bounds = array<i64: 400, 128>}, {transform_indices = @transform_1, window_bounds = array<i64: 400, 384>}, {pipeline_mode = #tpu.pipeline_mode<synchronous>, transform_indices = @transform_2, window_bounds = array<i64: 1, 128>}, {pipeline_mode = #tpu.pipeline_mode<synchronous>, transform_indices = @transform_3, window_bounds = array<i64: 1, 128>}, {pipeline_mode = #tpu.pipeline_mode<synchronous>, transform_indices = @transform_4, window_bounds = array<i64: 128, 128>}, {pipeline_mode = #tpu.pipeline_mode<synchronous>, transform_indices = @transform_5, window_bounds = array<i64: 1, 128>}, {pipeline_mode = #tpu.pipeline_mode<synchronous>, transform_indices = @transform_6, window_bounds = array<i64: 128, 384>}, {pipeline_mode = #tpu.pipeline_mode<synchronous>, transform_indices = @transform_7, window_bounds = array<i64: 1, 384>}, {transform_indices = @transform_8, window_bounds = array<i64: 400, 768>}]} {
    %get3A = arith.constant 0 : index
    %get3A_0 = arith.constant 0 : index
    %get3A_1 = vector.load %arg1[%get3A, %get3A_0] : memref<400x128xf32, #tpu.memory_space<vmem>>, vector<400x128xf32>
    %reduce_sum3A = arith.constant dense<0.000000e+00> : vector<400xf32>
    %reduce_sum3A_2 = vector.multi_reduction <add>, %get3A_1, %reduce_sum3A [1] : vector<400x128xf32> to vector<400xf32>
    %broadcast_in_dim3A = vector.shape_cast %reduce_sum3A_2 : vector<400xf32> to vector<400x1xf32>
    %div3A = arith.constant 1.280000e+02 : f32
    %div3A_3 = vector.broadcast %div3A : f32 to vector<400x1xf32>
    %div3A_4 = arith.divf %broadcast_in_dim3A, %div3A_3 : vector<400x1xf32>
    %sub3A = vector.broadcast %div3A_4 : vector<400x1xf32> to vector<400x128xf32>
    %sub3A_5 = arith.subf %get3A_1, %sub3A : vector<400x128xf32>
    %mul3A = arith.mulf %sub3A_5, %sub3A_5 : vector<400x128xf32>
    %reduce_sum3A_6 = arith.constant dense<0.000000e+00> : vector<400xf32>
    %reduce_sum3A_7 = vector.multi_reduction <add>, %mul3A, %reduce_sum3A_6 [1] : vector<400x128xf32> to vector<400xf32>
    %broadcast_in_dim3A_8 = vector.shape_cast %reduce_sum3A_7 : vector<400xf32> to vector<400x1xf32>
    %div3A_9 = arith.constant 1.280000e+02 : f32
    %div3A_10 = vector.broadcast %div3A_9 : f32 to vector<400x1xf32>
    %div3A_11 = arith.divf %broadcast_in_dim3A_8, %div3A_10 : vector<400x1xf32>
    %add3A = arith.constant 9.99999974E-6 : f32
    %add3A_12 = vector.broadcast %add3A : f32 to vector<400x1xf32>
    %add3A_13 = arith.addf %div3A_11, %add3A_12 : vector<400x1xf32>
    %rsqrt3A = math.rsqrt %add3A_13 : vector<400x1xf32>
    %mul3A_14 = vector.broadcast %rsqrt3A : vector<400x1xf32> to vector<400x128xf32>
    %mul3A_15 = arith.mulf %sub3A_5, %mul3A_14 : vector<400x128xf32>
    %get3A_16 = arith.constant 0 : index
    %get3A_17 = arith.constant 0 : index
    %get3A_18 = vector.load %arg3[%get3A_16, %get3A_17] : memref<1x128xf32, #tpu.memory_space<vmem>>, vector<1x128xf32>
    %mul3A_19 = vector.broadcast %get3A_18 : vector<1x128xf32> to vector<400x128xf32>
    %mul3A_20 = arith.mulf %mul3A_15, %mul3A_19 : vector<400x128xf32>
    %get3A_21 = arith.constant 0 : index
    %get3A_22 = arith.constant 0 : index
    %get3A_23 = vector.load %arg4[%get3A_21, %get3A_22] : memref<1x128xf32, #tpu.memory_space<vmem>>, vector<1x128xf32>
    %add3A_24 = vector.broadcast %get3A_23 : vector<1x128xf32> to vector<400x128xf32>
    %add3A_25 = arith.addf %mul3A_20, %add3A_24 : vector<400x128xf32>
    %get3A_26 = arith.constant 0 : index
    %get3A_27 = arith.constant 0 : index
    %get3A_28 = vector.load %arg5[%get3A_26, %get3A_27] : memref<128x128xf32, #tpu.memory_space<vmem>>, vector<128x128xf32>
    %dot_general3A = arith.constant dense<0.000000e+00> : vector<400x128xf32>
    %dot_general3A_29 = tpu.matmul %add3A_25, %get3A_28, %dot_general3A {dimension_numbers = #tpu.dot_dimension_numbers<[1], [0], [0], [1], [0, 0, 1, 1], [], []>, transpose_lhs_hint = false} : vector<400x128xf32>, vector<128x128xf32>, vector<400x128xf32> -> vector<400x128xf32>
    %get3A_30 = arith.constant 0 : index
    %get3A_31 = arith.constant 0 : index
    %get3A_32 = vector.load %arg6[%get3A_30, %get3A_31] : memref<1x128xf32, #tpu.memory_space<vmem>>, vector<1x128xf32>
    %add3A_33 = vector.broadcast %get3A_32 : vector<1x128xf32> to vector<400x128xf32>
    %add3A_34 = arith.addf %dot_general3A_29, %add3A_33 : vector<400x128xf32>
    %logistic3A = arith.negf %add3A_34 : vector<400x128xf32>
    %logistic3A_35 = math.exp %logistic3A : vector<400x128xf32>
    %logistic3A_36 = arith.constant 1.000000e+00 : f32
    %logistic3A_37 = vector.broadcast %logistic3A_36 : f32 to vector<400x128xf32>
    %logistic3A_38 = arith.addf %logistic3A_37, %logistic3A_35 : vector<400x128xf32>
    %logistic3A_39 = arith.divf %logistic3A_37, %logistic3A_38 : vector<400x128xf32>
    %mul3A_40 = arith.mulf %add3A_34, %logistic3A_39 : vector<400x128xf32>
    %mul3A_41 = arith.constant 1.66666663 : f32
    %mul3A_42 = vector.broadcast %mul3A_41 : f32 to vector<400x128xf32>
    %mul3A_43 = arith.mulf %mul3A_40, %mul3A_42 : vector<400x128xf32>
    %get3A_44 = arith.constant 0 : index
    %get3A_45 = arith.constant 0 : index
    %get3A_46 = vector.load %arg7[%get3A_44, %get3A_45] : memref<128x384xf32, #tpu.memory_space<vmem>>, vector<128x384xf32>
    %dot_general3A_47 = arith.constant dense<0.000000e+00> : vector<400x384xf32>
    %dot_general3A_48 = tpu.matmul %mul3A_43, %get3A_46, %dot_general3A_47 {dimension_numbers = #tpu.dot_dimension_numbers<[1], [0], [0], [1], [0, 0, 1, 1], [], []>, transpose_lhs_hint = false} : vector<400x128xf32>, vector<128x384xf32>, vector<400x384xf32> -> vector<400x384xf32>
    %get3A_49 = arith.constant 0 : index
    %get3A_50 = arith.constant 0 : index
    %get3A_51 = vector.load %arg8[%get3A_49, %get3A_50] : memref<1x384xf32, #tpu.memory_space<vmem>>, vector<1x384xf32>
    %add3A_52 = vector.broadcast %get3A_51 : vector<1x384xf32> to vector<400x384xf32>
    %add3A_53 = arith.addf %dot_general3A_48, %add3A_52 : vector<400x384xf32>
    %swap3A = arith.constant 0 : index
    %swap3A_54 = arith.constant 0 : index
    %swap3A_55 = vector.load %arg9[%swap3A, %swap3A_54] : memref<400x768xf32, #tpu.memory_space<vmem>>, vector<400x384xf32>
    tpu.vector_store %arg9[%swap3A, %swap3A_54], %add3A_53 {strides = array<i32>} : memref<400x768xf32, #tpu.memory_space<vmem>>, vector<400x384xf32>,
    %get3A_56 = arith.constant 0 : index
    %get3A_57 = arith.constant 0 : index
    %get3A_58 = vector.load %arg2[%get3A_56, %get3A_57] : memref<400x384xf32, #tpu.memory_space<vmem>>, vector<400x384xf32>
    %swap3A_59 = arith.constant 0 : index
    %swap3A_60 = arith.constant 384 : index
    %swap3A_61 = vector.load %arg9[%swap3A_59, %swap3A_60] : memref<400x768xf32, #tpu.memory_space<vmem>>, vector<400x384xf32>
    tpu.vector_store %arg9[%swap3A_59, %swap3A_60], %get3A_58 {strides = array<i32>} : memref<400x768xf32, #tpu.memory_space<vmem>>, vector<400x384xf32>,
    return
  }
  func.func @transform_0(%arg0: i32) -> (i32, i32) {
    %c0_i32 = arith.constant 0 : i32
    %c0_i32_0 = arith.constant 0 : i32
    return %arg0, %c0_i32 : i32, i32
  }
  func.func @transform_1(%arg0: i32) -> (i32, i32) {
    %c0_i32 = arith.constant 0 : i32
    %c0_i32_0 = arith.constant 0 : i32
    return %arg0, %c0_i32 : i32, i32
  }
  func.func @transform_2(%arg0: i32) -> (i32, i32) {
    %c0_i32 = arith.constant 0 : i32
    %c0_i32_0 = arith.constant 0 : i32
    %c0_i32_1 = arith.constant 0 : i32
    return %c0_i32, %c0_i32_0 : i32, i32
  }
  func.func @transform_3(%arg0: i32) -> (i32, i32) {
    %c0_i32 = arith.constant 0 : i32
    %c0_i32_0 = arith.constant 0 : i32
    %c0_i32_1 = arith.constant 0 : i32
    return %c0_i32, %c0_i32_0 : i32, i32
  }
  func.func @transform_4(%arg0: i32) -> (i32, i32) {
    %c0_i32 = arith.constant 0 : i32
    %c0_i32_0 = arith.constant 0 : i32
    %c0_i32_1 = arith.constant 0 : i32
    return %c0_i32, %c0_i32_0 : i32, i32
  }
  func.func @transform_5(%arg0: i32) -> (i32, i32) {
    %c0_i32 = arith.constant 0 : i32
    %c0_i32_0 = arith.constant 0 : i32
    %c0_i32_1 = arith.constant 0 : i32
    return %c0_i32, %c0_i32_0 : i32, i32
  }
  func.func @transform_6(%arg0: i32) -> (i32, i32) {
    %c0_i32 = arith.constant 0 : i32
    %c0_i32_0 = arith.constant 0 : i32
    %c0_i32_1 = arith.constant 0 : i32
    return %c0_i32, %c0_i32_0 : i32, i32
  }
  func.func @transform_7(%arg0: i32) -> (i32, i32) {
    %c0_i32 = arith.constant 0 : i32
    %c0_i32_0 = arith.constant 0 : i32
    %c0_i32_1 = arith.constant 0 : i32
    return %c0_i32, %c0_i32_0 : i32, i32
  }
  func.func @transform_8(%arg0: i32) -> (i32, i32) {
    %c0_i32 = arith.constant 0 : i32
    %c0_i32_0 = arith.constant 0 : i32
    return %arg0, %c0_i32 : i32, i32
  }
}

module attributes {stable_mosaic.version = 14 : i64} {
  func.func @_msg_body(%arg0: i32, %arg1: memref<640x128xf32, #tpu.memory_space<vmem>>, %arg2: memref<640x768xf32, #tpu.memory_space<vmem>>, %arg3: memref<640x8xf32, #tpu.memory_space<vmem>>, %arg4: memref<128x384xf32, #tpu.memory_space<vmem>>, %arg5: memref<1x384xf32, #tpu.memory_space<vmem>>, %arg6: memref<640x512xf32, #tpu.memory_space<vmem>>) attributes {dimension_semantics = [#tpu.dimension_semantics<arbitrary>], iteration_bounds = array<i64: 250>, scalar_prefetch = 0 : i64, scratch_operands = 0 : i64, tpu.core_type = #tpu.core_type<tc>, window_params = [{transform_indices = @transform_0, window_bounds = array<i64: 640, 128>}, {transform_indices = @transform_1, window_bounds = array<i64: 640, 768>}, {transform_indices = @transform_2, window_bounds = array<i64: 640, 8>}, {pipeline_mode = #tpu.pipeline_mode<synchronous>, transform_indices = @transform_3, window_bounds = array<i64: 128, 384>}, {pipeline_mode = #tpu.pipeline_mode<synchronous>, transform_indices = @transform_4, window_bounds = array<i64: 1, 384>}, {transform_indices = @transform_5, window_bounds = array<i64: 640, 512>}]} {
    %get3A = arith.constant 0 : index
    %get3A_0 = arith.constant 0 : index
    %get3A_1 = vector.load %arg1[%get3A, %get3A_0] : memref<640x128xf32, #tpu.memory_space<vmem>>, vector<640x128xf32>
    %get3A_2 = arith.constant 0 : index
    %get3A_3 = arith.constant 0 : index
    %get3A_4 = vector.load %arg4[%get3A_2, %get3A_3] : memref<128x384xf32, #tpu.memory_space<vmem>>, vector<128x384xf32>
    %dot_general3A = arith.constant dense<0.000000e+00> : vector<640x384xf32>
    %dot_general3A_5 = tpu.matmul %get3A_1, %get3A_4, %dot_general3A {dimension_numbers = #tpu.dot_dimension_numbers<[1], [0], [0], [1], [0, 0, 1, 1], [], []>, transpose_lhs_hint = false} : vector<640x128xf32>, vector<128x384xf32>, vector<640x384xf32> -> vector<640x384xf32>
    %get3A_6 = arith.constant 0 : index
    %get3A_7 = arith.constant 0 : index
    %get3A_8 = vector.load %arg5[%get3A_6, %get3A_7] : memref<1x384xf32, #tpu.memory_space<vmem>>, vector<1x384xf32>
    %add3A = vector.broadcast %get3A_8 : vector<1x384xf32> to vector<640x384xf32>
    %add3A_9 = arith.addf %dot_general3A_5, %add3A : vector<640x384xf32>
    %get3A_10 = arith.constant 0 : index
    %get3A_11 = arith.constant 0 : index
    %get3A_12 = vector.load %arg2[%get3A_10, %get3A_11] : memref<640x768xf32, #tpu.memory_space<vmem>>, vector<640x768xf32>
    %slice3A = vector.extract_strided_slice %get3A_12 {offsets = [0, 0], sizes = [640, 384], strides = [1, 1]} : vector<640x768xf32> to vector<640x384xf32>
    %mul3A = arith.mulf %slice3A, %add3A_9 : vector<640x384xf32>
    %slice3A_13 = vector.extract_strided_slice %mul3A {offsets = [0, 0], sizes = [640, 128], strides = [1, 1]} : vector<640x384xf32> to vector<640x128xf32>
    %slice3A_14 = vector.extract_strided_slice %mul3A {offsets = [0, 128], sizes = [640, 128], strides = [1, 1]} : vector<640x384xf32> to vector<640x128xf32>
    %mul3A_15 = arith.constant 0.577350259 : f32
    %mul3A_16 = vector.broadcast %mul3A_15 : f32 to vector<640x128xf32>
    %mul3A_17 = arith.mulf %slice3A_14, %mul3A_16 : vector<640x128xf32>
    %slice3A_18 = vector.extract_strided_slice %mul3A {offsets = [0, 256], sizes = [640, 128], strides = [1, 1]} : vector<640x384xf32> to vector<640x128xf32>
    %swap3A = arith.constant 0 : index
    %swap3A_19 = arith.constant 0 : index
    %swap3A_20 = vector.load %arg6[%swap3A, %swap3A_19] : memref<640x512xf32, #tpu.memory_space<vmem>>, vector<640x128xf32>
    tpu.vector_store %arg6[%swap3A, %swap3A_19], %slice3A_13 {strides = array<i32>} : memref<640x512xf32, #tpu.memory_space<vmem>>, vector<640x128xf32>,
    %slice3A_21 = vector.extract_strided_slice %get3A_12 {offsets = [0, 384], sizes = [640, 128], strides = [1, 1]} : vector<640x768xf32> to vector<640x128xf32>
    %get3A_22 = arith.constant 0 : index
    %get3A_23 = arith.constant 0 : index
    %get3A_24 = vector.load %arg3[%get3A_22, %get3A_23] : memref<640x8xf32, #tpu.memory_space<vmem>>, vector<640x1xf32>
    %mul3A_25 = arith.mulf %slice3A_21, %mul3A_17 : vector<640x128xf32>
    %mul3A_26 = vector.broadcast %get3A_24 : vector<640x1xf32> to vector<640x128xf32>
    %mul3A_27 = arith.mulf %slice3A_18, %mul3A_26 : vector<640x128xf32>
    %add3A_28 = arith.addf %mul3A_25, %mul3A_27 : vector<640x128xf32>
    %mul3A_29 = arith.constant 0.0883883461 : f32
    %mul3A_30 = vector.broadcast %mul3A_29 : f32 to vector<640x128xf32>
    %mul3A_31 = arith.mulf %add3A_28, %mul3A_30 : vector<640x128xf32>
    %swap3A_32 = arith.constant 0 : index
    %swap3A_33 = arith.constant 128 : index
    %swap3A_34 = vector.load %arg6[%swap3A_32, %swap3A_33] : memref<640x512xf32, #tpu.memory_space<vmem>>, vector<640x128xf32>
    tpu.vector_store %arg6[%swap3A_32, %swap3A_33], %mul3A_31 {strides = array<i32>} : memref<640x512xf32, #tpu.memory_space<vmem>>, vector<640x128xf32>,
    %slice3A_35 = vector.extract_strided_slice %get3A_12 {offsets = [0, 512], sizes = [640, 128], strides = [1, 1]} : vector<640x768xf32> to vector<640x128xf32>
    %get3A_36 = arith.constant 0 : index
    %get3A_37 = arith.constant 1 : index
    %get3A_38 = vector.load %arg3[%get3A_36, %get3A_37] : memref<640x8xf32, #tpu.memory_space<vmem>>, vector<640x1xf32>
    %mul3A_39 = arith.mulf %slice3A_35, %mul3A_17 : vector<640x128xf32>
    %mul3A_40 = vector.broadcast %get3A_38 : vector<640x1xf32> to vector<640x128xf32>
    %mul3A_41 = arith.mulf %slice3A_18, %mul3A_40 : vector<640x128xf32>
    %add3A_42 = arith.addf %mul3A_39, %mul3A_41 : vector<640x128xf32>
    %mul3A_43 = arith.constant 0.0883883461 : f32
    %mul3A_44 = vector.broadcast %mul3A_43 : f32 to vector<640x128xf32>
    %mul3A_45 = arith.mulf %add3A_42, %mul3A_44 : vector<640x128xf32>
    %swap3A_46 = arith.constant 0 : index
    %swap3A_47 = arith.constant 256 : index
    %swap3A_48 = vector.load %arg6[%swap3A_46, %swap3A_47] : memref<640x512xf32, #tpu.memory_space<vmem>>, vector<640x128xf32>
    tpu.vector_store %arg6[%swap3A_46, %swap3A_47], %mul3A_45 {strides = array<i32>} : memref<640x512xf32, #tpu.memory_space<vmem>>, vector<640x128xf32>,
    %slice3A_49 = vector.extract_strided_slice %get3A_12 {offsets = [0, 640], sizes = [640, 128], strides = [1, 1]} : vector<640x768xf32> to vector<640x128xf32>
    %get3A_50 = arith.constant 0 : index
    %get3A_51 = arith.constant 2 : index
    %get3A_52 = vector.load %arg3[%get3A_50, %get3A_51] : memref<640x8xf32, #tpu.memory_space<vmem>>, vector<640x1xf32>
    %mul3A_53 = arith.mulf %slice3A_49, %mul3A_17 : vector<640x128xf32>
    %mul3A_54 = vector.broadcast %get3A_52 : vector<640x1xf32> to vector<640x128xf32>
    %mul3A_55 = arith.mulf %slice3A_18, %mul3A_54 : vector<640x128xf32>
    %add3A_56 = arith.addf %mul3A_53, %mul3A_55 : vector<640x128xf32>
    %mul3A_57 = arith.constant 0.0883883461 : f32
    %mul3A_58 = vector.broadcast %mul3A_57 : f32 to vector<640x128xf32>
    %mul3A_59 = arith.mulf %add3A_56, %mul3A_58 : vector<640x128xf32>
    %swap3A_60 = arith.constant 0 : index
    %swap3A_61 = arith.constant 384 : index
    %swap3A_62 = vector.load %arg6[%swap3A_60, %swap3A_61] : memref<640x512xf32, #tpu.memory_space<vmem>>, vector<640x128xf32>
    tpu.vector_store %arg6[%swap3A_60, %swap3A_61], %mul3A_59 {strides = array<i32>} : memref<640x512xf32, #tpu.memory_space<vmem>>, vector<640x128xf32>,
    return
  }
  func.func @transform_0(%arg0: i32) -> (i32, i32) {
    %c0_i32 = arith.constant 0 : i32
    %c0_i32_0 = arith.constant 0 : i32
    return %arg0, %c0_i32 : i32, i32
  }
  func.func @transform_1(%arg0: i32) -> (i32, i32) {
    %c0_i32 = arith.constant 0 : i32
    %c0_i32_0 = arith.constant 0 : i32
    return %arg0, %c0_i32 : i32, i32
  }
  func.func @transform_2(%arg0: i32) -> (i32, i32) {
    %c0_i32 = arith.constant 0 : i32
    %c0_i32_0 = arith.constant 0 : i32
    return %arg0, %c0_i32 : i32, i32
  }
  func.func @transform_3(%arg0: i32) -> (i32, i32) {
    %c0_i32 = arith.constant 0 : i32
    %c0_i32_0 = arith.constant 0 : i32
    %c0_i32_1 = arith.constant 0 : i32
    return %c0_i32, %c0_i32_0 : i32, i32
  }
  func.func @transform_4(%arg0: i32) -> (i32, i32) {
    %c0_i32 = arith.constant 0 : i32
    %c0_i32_0 = arith.constant 0 : i32
    %c0_i32_1 = arith.constant 0 : i32
    return %c0_i32, %c0_i32_0 : i32, i32
  }
  func.func @transform_5(%arg0: i32) -> (i32, i32) {
    %c0_i32 = arith.constant 0 : i32
    %c0_i32_0 = arith.constant 0 : i32
    return %arg0, %c0_i32 : i32, i32
  }
}

</mosaic_0001>

<sc_bundles>
// kernel: kernel.6.cloned.1.call-start
scs
__scs_entry_jumppad:
0x0: {  	(pc) =	sbr.rel $0x88, $3  }
0x1: {  	(tag) =	ssettag $0x0;
	lr =	simm.s32 $0x1  }
0x2: {  	[smem:$0x3F94] =	sst lr;
	_ =	strace $0xD0000000  }
0x3: {  	_ = 	snop  }
0x4: {  	_ = 	snop  }
0x5: {  	_ = 	snop  }
0x6: {  	_ = 	snop  }
0x7: {  	_ = 	snop  }
__scs_overlays_trampoline_lowered:
0x8: {  	[smem:$0x3FA3] =	sst s0  }
0x9: {  	[smem:$0x3FA4] =	sst s1  }
0xa: {  	[smem:$0x3FA5] =	sst s2  }
0xb: {  	[smem:$0x3FA6] =	sst s3  }
0xc: {  	[smem:$0x3FA7] =	sst s4  }
0xd: {  	[smem:$0x3FA8] =	sst s5  }
0xe: {  	[smem:$0x3FA9] =	sst s6  }
0xf: {  	[smem:$0x3FAA] =	sst s7  }
0x10: {  	[smem:$0x3FAB] =	sst s8  }
0x11: {  	[smem:$0x3FAC] =	sst s9;
	s0 =	simm.s32 @!p0 $0x0  }
0x12: {  	s1 =	sld [smem:$0x3F92];
	s0 =	simm.s32 @p0 $0x1  }
0x13: {  	[smem:$0x3FAD] =	sst s0;
	s0 =	simm.s32 @!p1 $0x0  }
0x14: {  	s2 =	sld [smem:$0x3F91];
	s0 =	simm.s32 @p1 $0x1  }
0x15: {  	[smem:$0x3FAE] =	sst s0;
	s0 =	simm.s32 @!p2 $0x0  }
0x16: {  	s3 =	sld [smem:$0x3FDB];
	s0 =	simm.s32 @p2 $0x1  }
0x17: {  	s4 =	simm.s32 $0x1BF5;
	[smem:$0x3FB0] =	sst s0  }
0x18: {  	s0 =	sld [smem:$0x3F93];
	_ =	swait.ge [sflag:s4], $0x0  }
0x19: {  	s7 =	sld [smem:$0x3F94]  }
0x1a: {  	s8 =	sadd.s32 $0xFFFFE003, lr  }
0x1b: {  	s9 =	sadd.s32 $0xFFFFFEF7, lr;
	s5 =	simm.s32 $0xFFFFFFFF;
	p2 =	slt.u32 s8, $0xFFFFF086  }
0x1c: {  	p1 =	slt.u32 s9, $0xF7A;
	s5 =	simm.s32 @!p2 $0x0  }
0x1d: {  	s5 =	simm.s32 @p1 $0x1;
	p0 =	seq.s32 s7, s2  }
0x1e: {  	s7 =	smul.u32 @!p0 $0xF7A, s2;
	p2 =	seq.s32 @!p0 s5, $0x0  }
0x1f: {  	s9 =	smul.u32 $0xF7A, s1;
	s8 =	simm.s32 @!p0 $0x1BF5;
	p2 =	por !p2, p0  }
0x20: {  	[sflag:s8] =	ssyncset.s32 @!p0 $0xFFFFF086;
	s6 =	sadd.s32 @!p0 s3, s7;
	s7 =	simm.s32 @!p0 $0x108  }
0x21: {  	s3 =	sadd.s32 s3, s9;
	s6 =	sadd.s32 @!p0 $0x88, s6;
	s7 =	simm.s32 @p2 $0x1082  }
0x22: {  	[simem:s7], [sflag:s8] =	dma.local @!p0 [hbm:s6], $0xF7A  }
0x23: {  	s9 =	sor.u32 $0xD0000000, s2;
	s6 =	simm.s32 $0x108;
	_ =	swait.ge @!p0 [sflag:s8], $0x0  }
0x24: {  	s3 =	sadd.s32 $0x88, s3;
	s6 =	simm.s32 @!p1 $0x1082;
	[sflag:s4] =	ssyncset.s32 $0xFFFFF086  }
0x25: {  	[simem:s6], [sflag:s4] =	dma.local [hbm:s3], $0xF7A  }
0x26: {  	[smem:$0x3F94] =	sst s1;
	(tag) =	ssettag s2;
	_ =	strace s9  }
0x27: {  	s1 =	sld [smem:$0x3FA4]  }
0x28: {  	s2 =	sld [smem:$0x3FA5]  }
0x29: {  	s4 =	sld [smem:$0x3FA7]  }
0x2a: {  	p0 =	seq.s32 s5, $0x0;
	s5 =	sld [smem:$0x3FA8]  }
0x2b: {  	s6 =	sld [smem:$0x3FA9]  }
0x2c: {  	s7 =	sld [smem:$0x3FAA]  }
0x2d: {  	s3 =	simm.s32 $0x108;
	s8 =	sld [smem:$0x3FAB]  }
0x2e: {  	s3 =	simm.s32 @!p0 $0x1082;
	s9 =	sld [smem:$0x3FAC]  }
0x2f: {  	lr =	sadd.s32 s0, s3;
	s0 =	sld [smem:$0x3FA3]  }
0x30: {  	s3 =	sld [smem:$0x3FA6]  }
0x31: {  	[smem:$0x3FAF] =	sst s10  }
0x32: {  	s10 =	sld [smem:$0x3FAD];
	_ =	sdelay $0x3  }
0x33: {  	p0 =	seq.s32 s10, $0x1;
	s10 =	sld [smem:$0x3FAF];
	_ =	sdelay $0x3  }
0x34: {  	[smem:$0x3FAF] =	sst s10  }
0x35: {  	s10 =	sld [smem:$0x3FAE];
	_ =	sdelay $0x3  }
0x36: {  	p1 =	seq.s32 s10, $0x1;
	s10 =	sld [smem:$0x3FAF];
	_ =	sdelay $0x3  }
0x37: {  	[smem:$0x3FAF] =	sst s10  }
0x38: {  	s10 =	sld [smem:$0x3FB0]  }
0x39: {  	_ = 	snop;
	(pc) =	sbr.ind lr, $3  }
0x3a: {  	_ = 	snop  }
0x3b: {  	_ = 	snop  }
0x3c: {  	p2 =	seq.s32 s10, $0x1;
	s10 =	sld [smem:$0x3FAF]  }
0x3d: {  	_ =	shalt  }
0x3e: {  	_ =	shalt  }
0x3f: {  	_ =	shalt  }
0x40: {  	_ =	shalt  }
0x41: {  	_ =	shalt  }
0x42: {  	_ =	shalt  }
0x43: {  	_ =	shalt  }
0x44: {  	_ =	shalt  }
0x45: {  	_ =	shalt  }
0x46: {  	_ =	shalt  }
0x47: {  	_ =	shalt  }
0x48: {  	_ =	shalt  }
0x49: {  	_ =	shalt  }
0x4a: {  	_ =	shalt  }
0x4b: {  	_ =	shalt  }
0x4c: {  	_ =	shalt  }
0x4d: {  	_ =	shalt  }
0x4e: {  	_ =	shalt  }
0x4f: {  	_ =	shalt  }
0x50: {  	_ =	shalt  }
0x51: {  	_ =	shalt  }
0x52: {  	_ =	shalt  }
0x53: {  	_ =	shalt  }
0x54: {  	_ =	shalt  }
0x55: {  	_ =	shalt  }
0x56: {  	_ =	shalt  }
0x57: {  	_ =	shalt  }
0x58: {  	_ =	shalt  }
0x59: {  	_ =	shalt  }
0x5a: {  	_ =	shalt  }
0x5b: {  	_ =	shalt  }
0x5c: {  	_ =	shalt  }
0x5d: {  	_ =	shalt  }
0x5e: {  	_ =	shalt  }
0x5f: {  	_ =	shalt  }
0x60: {  	_ =	shalt  }
0x61: {  	_ =	shalt  }
0x62: {  	_ =	shalt  }
0x63: {  	_ =	shalt  }
0x64: {  	_ =	shalt  }
0x65: {  	_ =	shalt  }
0x66: {  	_ =	shalt  }
0x67: {  	_ =	shalt  }
0x68: {  	_ =	shalt  }
0x69: {  	_ =	shalt  }
0x6a: {  	_ =	shalt  }
0x6b: {  	_ =	shalt  }
0x6c: {  	_ =	shalt  }
0x6d: {  	_ =	shalt  }
0x6e: {  	_ =	shalt  }
0x6f: {  	_ =	shalt  }
0x70: {  	_ =	shalt  }
0x71: {  	_ =	shalt  }
0x72: {  	_ =	shalt  }
0x73: {  	_ =	shalt  }
0x74: {  	_ =	shalt  }
0x75: {  	_ =	shalt  }
0x76: {  	_ =	shalt  }
0x77: {  	_ =	shalt  }
0x78: {  	_ =	shalt  }
0x79: {  	_ =	shalt  }
0x7a: {  	_ =	shalt  }
0x7b: {  	_ =	shalt  }
0x7c: {  	_ =	shalt  }
0x7d: {  	_ =	shalt  }
0x7e: {  	_ =	shalt  }
0x7f: {  	_ =	shalt  }
0x80: {  	_ =	shalt  }
0x81: {  	_ =	shalt  }
0x82: {  	_ =	shalt  }
0x83: {  	_ =	shalt  }
0x84: {  	_ =	shalt  }
0x85: {  	_ =	shalt  }
0x86: {  	_ =	shalt  }
0x87: {  	_ =	shalt  }
.Lfunc_end0:
.L_simem_size_0:
called_computation_lowered:
.L_overlay_start_0:
0x88: {  	s2 =	sld [smem:$0x3FD9]  }
0x89: {  	s3 =	sld [smem:$0x3FFE];
	_ =	sdelay $0x1  }
0x8a: {  	s1 =	srdreg.scid  }
0x8b: {  	s0 =	sand.u32 $0x1, s1  }
0x8c: {  	s14 =	sshll.u32 s0, $0xA;
	s2 =	sadd.s32 s3, s2  }
0x8d: {  	s2 =	sadd.s32 s2, s14  }
0x8e: {  	[smem:$0x3FBB] =	sst s2  }
0x8f: {  	_ = 	snop  }
0x90: {  	s2 =	sld [smem:$0x3FD0];
	_ =	sdelay $0x2  }
0x91: {  	s15 =	simm.s32 $0xA;
	s4 =	simm.s32 $0x10  }
0x92: {  	[smem:s4], [sflag:s15] =	dma.local [hbm:s2], $0x1  }
0x93: {  	_ =	swait.eq [sflag:s15], $0x1  }
0x94: {  	[sflag:s15] =	ssyncset.done $0x0  }
0x95: {  	[sflag:s15] =	ssyncadd.s32 $0xFFFFFFFF  }
0x96: {  	s16 =	sld [smem:$0x11];
	(tm) =	ssettm $0x1  }
0x97: {  	s17 =	sld [smem:$0x3FFB];
	_ =	sdelay $0x3  }
0x98: {  	_ =	strace s17  }
0x99: {  	s3 =	sld [smem:$0x3FFC];
	_ =	sdelay $0x3  }
0x9a: {  	_ =	strace s3  }
0x9b: {  	s3 =	sld [smem:$0x3FFD];
	_ =	sdelay $0x3  }
0x9c: {  	_ =	strace s3  }
0x9d: {  	_ =	strace $0x8FFFFFFF  }
0x9e: {  	s18 =	sld [smem:$0x3FDB];
	_ =	sdelay $0x1  }
0x9f: {  	s19 =	simm.s32 $_scs_section_size  }
0xa0: {  	s5 =	simm.s32 $_size__tile_overlayer_lowered;
	s6 =	simm.s32 $_tile_overlayer_lowered  }
0xa1: {  	s22 =	simm.s32 $0x1BFF;
	s21 =	sshll.u32 s6, $0x1;
	s3 =	sadd.s32 s19, s18  }
0xa2: {  	s7 =	simm.s32 $0x0;
	s20 =	sshll.u32 s5, $0x1;
	s5 =	sadd.s32 s21, s3  }
0xa3: {  	[timem:s7], [sflag:s22] =	dma.local [hbm:s5], s20  }
0xa4: {  	_ =	swait.ge [sflag:s22], s20  }
0xa5: {  	s4 =	ssub.s32 $0x0, s20;
	[sflag:s22] =	ssyncset.done $0x0  }
0xa6: {  	[sflag:s22] =	ssyncadd.s32 s4;
	_ =	sdelay $0x1  }
0xa7: {  	s23 =	simm.s32 $0x1B8B  }
0xa8: {  	_ =	swait.ge [sflag:s23], $0x1  }
0xa9: {  	[sflag:s23] =	ssyncset.done $0x0  }
0xaa: {  	s25 =	simm.s32 $0x1B8E;
	s24 =	sld [smem:$0x3FFE];
	[sflag:s23] =	ssyncadd.s32 $0xFFFFFFFF  }
0xab: {  	s26 =	simm.s32 $execute0_lowered;
	[smem:$0x3FD2] =	sst s25  }
0xac: {  	s5 =	sshll.u32 s26, $0x1;
	_ =	strace $0x80000046;
	[dreg:$0x1] =	wrdreg $0xFFFFFFFF  }
0xad: {  	s28 =	simm.s32 $_size_execute0_lowered;
	s3 =	sadd.s32 s3, s5;
	[dreg:$0x0] =	wrdreg $0x0  }
0xae: {  	s5 =	sshll.u32 s28, $0x1;
	[dreg:$0x2] =	wrdreg s3  }
0xaf: {  	[dreg:$0x3] =	wrdreg s5  }
0xb0: {  	[dreg:$0x4] =	wrdreg $0xC0  }
0xb1: {  	_ =	task [dreg:s7], $0x5FFFF  }
0xb2: {  	[dreg:$0x1] =	wrdreg $0xFFFFFFFF  }
0xb3: {  	[dreg:$0x0] =	wrdreg $0x60  }
0xb4: {  	[dreg:$0x2] =	wrdreg s24  }
0xb5: {  	[dreg:$0x3] =	wrdreg s16  }
0xb6: {  	[dreg:$0x4] =	wrdreg $0x9  }
0xb7: {  	_ =	task.clear_ibuf [dreg:s7], $0x5FFFF;
	_ =	strace $0x90000046  }
0xb8: {  	s29 =	simm.s32 $0x9;
	_ =	strace $0x80000048  }
0xb9: {  	_ =	swait.ge [sflag:s29], $0x1  }
0xba: {  	[sflag:s29] =	ssyncadd.s32 $0xFFFFFFFF  }
0xbb: {  	_ =	strace $0x90000048  }
0xbc: {  	_ =	sfence  }
0xbd: {  	s30 =	sld [smem:$0x0];
	_ =	sdelay $0x2  }
0xbe: {  	s31 =	sshll.u32 s1, $0xD;
	s1 =	sshrl.u32 s1, $0x2  }
0xbf: {  	s3 =	sand.u32 $0x4000, s31;
	s1 =	sadd.s32 s1, s30  }
0xc0: {  	s0 =	sor.u32 s3, s0;
	s1 =	sshll.u32 s1, $0x11  }
0xc1: {  	s0 =	sor.u32 s1, s0  }
0xc2: {  	s0 =	sadd.s32 $0x8F2B, s0  }
0xc3: {  	[sflag:s0] =	ssyncadd.remote.s32 $0x1  }
0xc4: {  	_ =	sfence.sel $0xFFFF  }
0xc5: {  	[dreg:$0x0] =	wrdreg $0xFFFFFFFF;
	(pc) =	sbr.abs _section_cstart, $3  }
0xc6: {  	[dreg:$0x1] =	wrdreg $0xFFFFFFFF  }
0xc7: {  	_ =	task.clear_ibuf [dreg:s7], $0x2FFFF;
	_ =	strace $0x9FFFFFFF  }
0xc8: {  	(tm) =	ssettm $0x7FFFFFFF  }
0xc9: {  	_ =	shalt  }
tec
execute0_lowered:
.L_overlay_start_1:
0x0: {  	(tag) =	ssettag $0x1  }
0x1: {  	s5 =	rddreg [dreg:$0x0]  }
0x2: {  	s6 =	rddreg [dreg:$0x1];
	s2 =	simm.s32 $0x0  }
0x3: {  	s13 =	simm.s32 $0x1900;
	[smem:$0x7FF] =	sst s2  }
0x4: {  	s14 =	simm.s32 $0x2100;
	_ =	strace $0x80000047;
	[dreg:$0x4] =	wrdreg s13  }
0x5: {  	s15 =	simm.s32 $0x2900;
	[dreg:$0x5] =	wrdreg s14  }
0x6: {  	s16 =	simm.s32 $0x3100;
	[dreg:$0x6] =	wrdreg s15  }
0x7: {  	s17 =	simm.s32 $0x3900;
	[dreg:$0x7] =	wrdreg s16  }
0x8: {  	s4 =	simm.s32 $0x4100;
	[dreg:$0x8] =	wrdreg s17  }
0x9: {  	s18 =	simm.s32 $0x4900;
	[dreg:$0x9] =	wrdreg s4  }
0xa: {  	s19 =	simm.s32 $0x5100;
	[dreg:$0xa] =	wrdreg s18  }
0xb: {  	s20 =	simm.s32 $0x5900;
	[dreg:$0xb] =	wrdreg s19  }
0xc: {  	s0 =	srdreg.scid;
	s21 =	simm.s32 $0x6100;
	[dreg:$0xc] =	wrdreg s20  }
0xd: {  	s10 =	stileid.u32;
	s22 =	simm.s32 $0x6900;
	[dreg:$0xd] =	wrdreg s21  }
0xe: {  	s24 =	simm.s32 $0x7100;
	s25 =	simm.s32 $0x7900;
	[dreg:$0xe] =	wrdreg s22  }
0xf: {  	s26 =	simm.s32 $0x8100;
	s11 =	simm.s32 $0x9100;
	[dreg:$0xf] =	wrdreg s24  }
0x10: {  	s28 =	simm.s32 $0x16100;
	s1 =	smul.u32 $0x2710, s10;
	[dreg:$0x10] =	wrdreg s25  }
0x11: {  	s23 =	sshll.u32 s10, $0x1;
	s10 =	simm.s32 $0x8900;
	[dreg:$0x11] =	wrdreg s26  }
0x12: {  	s29 =	simm.s32 $0x16900;
	s30 =	simm.s32 $0x17100;
	[dreg:$0x12] =	wrdreg s10  }
0x13: {  	s31 =	simm.s32 $0x17900;
	[dreg:$0x13] =	wrdreg s11;
	s13 =	simm.s32 $0xA100  }
0x14: {  	s0 =	sand.u32 $0x1, s0;
	s15 =	simm.s32 $0xA900;
	[dreg:$0x15] =	wrdreg s13  }
0x15: {  	s7 =	sadd.s32 $0xEC200, s5;
	s16 =	simm.s32 $0xB100;
	[dreg:$0x16] =	wrdreg s15  }
0x16: {  	s3 =	smul.u32 $0x1388, s0;
	s18 =	simm.s32 $0xB900;
	[dreg:$0x17] =	wrdreg s16  }
0x17: {  	s8 =	ssub.s32 $0x2, s0;
	s19 =	simm.s32 $0xC100;
	[dreg:$0x18] =	wrdreg s18  }
0x18: {  	s0 =	sor.u32 s0, s23;
	s21 =	simm.s32 $0xC900;
	[dreg:$0x19] =	wrdreg s19  }
0x19: {  	s4 =	sadd.s32 $0x1D00, s5;
	s22 =	simm.s32 $0xD100;
	[dreg:$0x1a] =	wrdreg s21  }
0x1a: {  	s10 =	simm.s32 $0x2;
	s23 =	simm.s32 $0xD900;
	[dreg:$0x1b] =	wrdreg s22  }
0x1b: {  	s11 =	simm.s32 $0x100;
	s24 =	simm.s32 $0xE100;
	[dreg:$0x1c] =	wrdreg s23  }
0x1c: {  	s25 =	simm.s32 $0xE900;
	s26 =	simm.s32 $0xF100;
	[dreg:$0x1d] =	wrdreg s24  }
0x1d: {  	s9 =	sshrl.u32 s8, $0x1;
	s0 =	smul.u32 $0x1388, s0;
	[dreg:$0x1e] =	wrdreg s25  }
0x1e: {  	s13 =	simm.s32 $0x1100;
	[dreg:$0x1f] =	wrdreg s26;
	s15 =	simm.s32 $0x10100  }
0x1f: {  	s16 =	simm.s32 $0x10900;
	s18 =	simm.s32 $0x11900;
	s19 =	simm.s32 $0x12100  }
0x20: {  	s21 =	simm.s32 $0x13100;
	s22 =	simm.s32 $0x13900;
	s23 =	simm.s32 $0x14100  }
0x21: {  	s24 =	simm.s32 $0x14900;
	s25 =	simm.s32 $0x15100;
	s26 =	simm.s32 $0x15900  }
0x22: {  	s1 =	sadd.s32 s3, s1;
	s3 =	sadd.s32 $0x1C00, s5;
	s8 =	ssub.s32 s8, s9  }
0x23: {  	s1 =	sshrl.u32 s1, $0x3;
	s0 =	sshrl.u32 s0, $0x3;
	s20 =	smax.u32 s8, $0x1  }
0x24: {  	s12 =	sadd.s32 s1, s6;
	s0 =	sadd.s32 $0x270, s0;
	[smem:$0x7FC] =	sst s20  }
0x25: {  	s1 =	smul.u32 $0x300, s1;
	[dreg:$0x3] =	wrdreg s12;
	s12 =	simm.s32 $0x9900  }
0x26: {  	s14 =	smul.u32 $0x300, s0;
	s0 =	sadd.s32 s6, s0;
	[dreg:$0x14] =	wrdreg s12  }
0x27: {  	s5 =	sadd.s32 $0x1E00, s5;
	s20 =	simm.s32 $0x12900;
	[smem:$0x7FA] =	sst s0  }
0x28: {  	v2 =	vlaneseq.u32;
	s1 =	sadd.s32 s1, s7;
	s12 =	simm.s32 $0x900;
	s0 =	simm.s32 $0x0  }
0x29: {  	vm0 =	vmmov $0xffff;
	v1 =	vshrl.u32 v2, $0x3;
	s17 =	sadd.s32 s7, s14;
	[smem:$0x7FD] =	sst s1;
	s14 =	simm.s32 $0xF900  }
0x2a: {  	v0 =	vand.u32 $0x7, v2;
	v2 =	vor.u32 $0x8, v2;
	v1 =	vmul.u32 $0x8, v1;
	s1 =	simm.s32 $0x1;
	[smem:$0x7FB] =	sst s17;
	s17 =	simm.s32 $0x11100  }
.LBB2_1:
0x2b: {  	s6 =	simm.s32 $0x0;
	s9 =	sld [smem:$0x7FD]  }
.LBB2_2:
0x2c: {  	s8 =	rddreg [dreg:$0x3]  }
0x2d: {  	s8 =	sadd.s32 s6, s8  }
0x2e: {  	[tilespmem:s2], [sflag:$0x2] =	stream.linear.gather [hbm4b:s8+s2], $0x80, $0x38;
	[tilespmem:$0x18100] =	vst v63  }
0x2f: {  	_ =	swait.ge [sflag:s10], $0x80  }
0x30: {  	[sflag:s10] =	ssyncset.done $0x0  }
0x31: {  	[sflag:s10] =	ssyncadd.s32 $0xFFFFFF80  }
0x32: {  	v3 =	vld [tilespmem:$0x0];
	_ =	sdelay $0x4  }
0x33: {  	v4 =	vshrl.u32 v3, $0x3  }
0x34: {  	v4 =	vmul.u32 $0x30, v4  }
0x35: {  	v3 =	vand.u32 $0x7, v3  }
0x36: {  	v3 =	vor.u32 v3, v4  }
0x37: {  	v4 =	vperm.xlane v3, v0;
	_ =	sdelay $0x1  }
0x38: {  	v4 =	vadd.s32 v1, v4;
	_ =	sdelay $0x3  }
0x39: {  	v3 =	vperm.xlane v3, v2  }
0x3a: {  	[tilespmem:s11], [sflag:$0x1] =	stream.indirect_vreg.gather [hbm4b:s3+s2], $0x80, v4, vm0, $0xb8;
	[tilespmem:$0x18100] =	vst v63  }
0x3b: {  	v3 =	vadd.s32 v1, v3  }
0x3c: {  	[tilespmem:s12], [sflag:$0x1] =	stream.indirect_vreg.gather [hbm4b:s4+s2], $0x80, v4, vm0, $0xb8;
	[tilespmem:$0x18100] =	vst v63  }
0x3d: {  	_ = 	snop  }
0x3e: {  	[tilespmem:s13], [sflag:$0x1] =	stream.indirect_vreg.gather [hbm4b:s5+s2], $0x80, v4, vm0, $0xb8;
	[tilespmem:$0x18100] =	vst v63  }
0x3f: {  	s8 =	rddreg [dreg:$0x4]  }
0x40: {  	[tilespmem:s8], [sflag:$0x1] =	stream.indirect_vreg.gather [hbm4b:s3+s2], $0x80, v3, vm0, $0xb8;
	[tilespmem:$0x18100] =	vst v63  }
0x41: {  	s7 =	rddreg [dreg:$0x5]  }
0x42: {  	[tilespmem:s7], [sflag:$0x1] =	stream.indirect_vreg.gather [hbm4b:s4+s2], $0x80, v3, vm0, $0xb8;
	[tilespmem:$0x18100] =	vst v63  }
0x43: {  	s8 =	rddreg [dreg:$0x6]  }
0x44: {  	[tilespmem:s8], [sflag:$0x1] =	stream.indirect_vreg.gather [hbm4b:s5+s2], $0x80, v3, vm0, $0xb8;
	[tilespmem:$0x18100] =	vst v63  }
0x45: {  	v3 =	vld [tilespmem:$0x10];
	_ =	sdelay $0x4  }
0x46: {  	v57 =	vshrl.u32 v3, $0x3  }
0x47: {  	v4 =	vmul.u32 $0x30, v57  }
0x48: {  	v3 =	vand.u32 $0x7, v3  }
0x49: {  	v3 =	vor.u32 v3, v4  }
0x4a: {  	v4 =	vperm.xlane v3, v0;
	_ =	sdelay $0x1  }
0x4b: {  	v4 =	vadd.s32 v1, v4;
	_ =	sdelay $0x3  }
0x4c: {  	s7 =	rddreg [dreg:$0x7];
	v3 =	vperm.xlane v3, v2  }
0x4d: {  	[tilespmem:s7], [sflag:$0x1] =	stream.indirect_vreg.gather [hbm4b:s3+s2], $0x80, v4, vm0, $0xb8;
	[tilespmem:$0x18100] =	vst v63  }
0x4e: {  	s8 =	rddreg [dreg:$0x8];
	v3 =	vadd.s32 v1, v3  }
0x4f: {  	[tilespmem:s8], [sflag:$0x1] =	stream.indirect_vreg.gather [hbm4b:s4+s2], $0x80, v4, vm0, $0xb8;
	[tilespmem:$0x18100] =	vst v63  }
0x50: {  	s7 =	rddreg [dreg:$0x9]  }
0x51: {  	[tilespmem:s7], [sflag:$0x1] =	stream.indirect_vreg.gather [hbm4b:s5+s2], $0x80, v4, vm0, $0xb8;
	[tilespmem:$0x18100] =	vst v63  }
0x52: {  	s8 =	rddreg [dreg:$0xa]  }
0x53: {  	[tilespmem:s8], [sflag:$0x1] =	stream.indirect_vreg.gather [hbm4b:s3+s2], $0x80, v3, vm0, $0xb8;
	[tilespmem:$0x18100] =	vst v63  }
0x54: {  	s7 =	rddreg [dreg:$0xb]  }
0x55: {  	[tilespmem:s7], [sflag:$0x1] =	stream.indirect_vreg.gather [hbm4b:s4+s2], $0x80, v3, vm0, $0xb8;
	[tilespmem:$0x18100] =	vst v63  }
0x56: {  	s8 =	rddreg [dreg:$0xc]  }
0x57: {  	[tilespmem:s8], [sflag:$0x1] =	stream.indirect_vreg.gather [hbm4b:s5+s2], $0x80, v3, vm0, $0xb8;
	[tilespmem:$0x18100] =	vst v63  }
0x58: {  	v3 =	vld [tilespmem:$0x20];
	_ =	sdelay $0x4  }
0x59: {  	v58 =	vshrl.u32 v3, $0x3  }
0x5a: {  	v4 =	vmul.u32 $0x30, v58  }
0x5b: {  	v3 =	vand.u32 $0x7, v3  }
0x5c: {  	v3 =	vor.u32 v3, v4  }
0x5d: {  	v4 =	vperm.xlane v3, v0;
	_ =	sdelay $0x1  }
0x5e: {  	v4 =	vadd.s32 v1, v4;
	_ =	sdelay $0x3  }
0x5f: {  	s7 =	rddreg [dreg:$0xd];
	v3 =	vperm.xlane v3, v2  }
0x60: {  	[tilespmem:s7], [sflag:$0x1] =	stream.indirect_vreg.gather [hbm4b:s3+s2], $0x80, v4, vm0, $0xb8;
	[tilespmem:$0x18100] =	vst v63  }
0x61: {  	s8 =	rddreg [dreg:$0xe];
	v3 =	vadd.s32 v1, v3  }
0x62: {  	[tilespmem:s8], [sflag:$0x1] =	stream.indirect_vreg.gather [hbm4b:s4+s2], $0x80, v4, vm0, $0xb8;
	[tilespmem:$0x18100] =	vst v63  }
0x63: {  	s7 =	rddreg [dreg:$0xf]  }
0x64: {  	[tilespmem:s7], [sflag:$0x1] =	stream.indirect_vreg.gather [hbm4b:s5+s2], $0x80, v4, vm0, $0xb8;
	[tilespmem:$0x18100] =	vst v63  }
0x65: {  	s8 =	rddreg [dreg:$0x10]  }
0x66: {  	[tilespmem:s8], [sflag:$0x1] =	stream.indirect_vreg.gather [hbm4b:s3+s2], $0x80, v3, vm0, $0xb8;
	[tilespmem:$0x18100] =	vst v63  }
0x67: {  	s7 =	rddreg [dreg:$0x11]  }
0x68: {  	[tilespmem:s7], [sflag:$0x1] =	stream.indirect_vreg.gather [hbm4b:s4+s2], $0x80, v3, vm0, $0xb8;
	[tilespmem:$0x18100] =	vst v63  }
0x69: {  	s8 =	rddreg [dreg:$0x12]  }
0x6a: {  	[tilespmem:s8], [sflag:$0x1] =	stream.indirect_vreg.gather [hbm4b:s5+s2], $0x80, v3, vm0, $0xb8;
	[tilespmem:$0x18100] =	vst v63  }
0x6b: {  	v3 =	vld [tilespmem:$0x30];
	_ =	sdelay $0x4  }
0x6c: {  	v59 =	vshrl.u32 v3, $0x3  }
0x6d: {  	v4 =	vmul.u32 $0x30, v59  }
0x6e: {  	v3 =	vand.u32 $0x7, v3  }
0x6f: {  	v3 =	vor.u32 v3, v4  }
0x70: {  	v4 =	vperm.xlane v3, v0;
	_ =	sdelay $0x1  }
0x71: {  	v4 =	vadd.s32 v1, v4;
	_ =	sdelay $0x3  }
0x72: {  	s7 =	rddreg [dreg:$0x13];
	v3 =	vperm.xlane v3, v2  }
0x73: {  	[tilespmem:s7], [sflag:$0x1] =	stream.indirect_vreg.gather [hbm4b:s3+s2], $0x80, v4, vm0, $0xb8;
	[tilespmem:$0x18100] =	vst v63  }
0x74: {  	s8 =	rddreg [dreg:$0x14];
	v3 =	vadd.s32 v1, v3  }
0x75: {  	[tilespmem:s8], [sflag:$0x1] =	stream.indirect_vreg.gather [hbm4b:s4+s2], $0x80, v4, vm0, $0xb8;
	[tilespmem:$0x18100] =	vst v63  }
0x76: {  	s7 =	rddreg [dreg:$0x15]  }
0x77: {  	[tilespmem:s7], [sflag:$0x1] =	stream.indirect_vreg.gather [hbm4b:s5+s2], $0x80, v4, vm0, $0xb8;
	[tilespmem:$0x18100] =	vst v63  }
0x78: {  	s8 =	rddreg [dreg:$0x16]  }
0x79: {  	[tilespmem:s8], [sflag:$0x1] =	stream.indirect_vreg.gather [hbm4b:s3+s2], $0x80, v3, vm0, $0xb8;
	[tilespmem:$0x18100] =	vst v63  }
0x7a: {  	s7 =	rddreg [dreg:$0x17]  }
0x7b: {  	[tilespmem:s7], [sflag:$0x1] =	stream.indirect_vreg.gather [hbm4b:s4+s2], $0x80, v3, vm0, $0xb8;
	[tilespmem:$0x18100] =	vst v63  }
0x7c: {  	s8 =	rddreg [dreg:$0x18]  }
0x7d: {  	[tilespmem:s8], [sflag:$0x1] =	stream.indirect_vreg.gather [hbm4b:s5+s2], $0x80, v3, vm0, $0xb8;
	[tilespmem:$0x18100] =	vst v63  }
0x7e: {  	v3 =	vld [tilespmem:$0x40];
	_ =	sdelay $0x4  }
0x7f: {  	v60 =	vshrl.u32 v3, $0x3  }
0x80: {  	v4 =	vmul.u32 $0x30, v60  }
0x81: {  	v3 =	vand.u32 $0x7, v3  }
0x82: {  	v3 =	vor.u32 v3, v4  }
0x83: {  	v4 =	vperm.xlane v3, v0;
	_ =	sdelay $0x1  }
0x84: {  	v4 =	vadd.s32 v1, v4;
	_ =	sdelay $0x3  }
0x85: {  	s7 =	rddreg [dreg:$0x19];
	v3 =	vperm.xlane v3, v2  }
0x86: {  	[tilespmem:s7], [sflag:$0x1] =	stream.indirect_vreg.gather [hbm4b:s3+s2], $0x80, v4, vm0, $0xb8;
	[tilespmem:$0x18100] =	vst v63  }
0x87: {  	s8 =	rddreg [dreg:$0x1a];
	v3 =	vadd.s32 v1, v3  }
0x88: {  	[tilespmem:s8], [sflag:$0x1] =	stream.indirect_vreg.gather [hbm4b:s4+s2], $0x80, v4, vm0, $0xb8;
	[tilespmem:$0x18100] =	vst v63  }
0x89: {  	s7 =	rddreg [dreg:$0x1b]  }
0x8a: {  	[tilespmem:s7], [sflag:$0x1] =	stream.indirect_vreg.gather [hbm4b:s5+s2], $0x80, v4, vm0, $0xb8;
	[tilespmem:$0x18100] =	vst v63  }
0x8b: {  	s8 =	rddreg [dreg:$0x1c]  }
0x8c: {  	[tilespmem:s8], [sflag:$0x1] =	stream.indirect_vreg.gather [hbm4b:s3+s2], $0x80, v3, vm0, $0xb8;
	[tilespmem:$0x18100] =	vst v63  }
0x8d: {  	s7 =	rddreg [dreg:$0x1d]  }
0x8e: {  	[tilespmem:s7], [sflag:$0x1] =	stream.indirect_vreg.gather [hbm4b:s4+s2], $0x80, v3, vm0, $0xb8;
	[tilespmem:$0x18100] =	vst v63  }
0x8f: {  	s8 =	rddreg [dreg:$0x1e]  }
0x90: {  	[tilespmem:s8], [sflag:$0x1] =	stream.indirect_vreg.gather [hbm4b:s5+s2], $0x80, v3, vm0, $0xb8;
	[tilespmem:$0x18100] =	vst v63  }
0x91: {  	v3 =	vld [tilespmem:$0x50];
	_ =	sdelay $0x4  }
0x92: {  	v61 =	vshrl.u32 v3, $0x3  }
0x93: {  	v4 =	vmul.u32 $0x30, v61  }
0x94: {  	v3 =	vand.u32 $0x7, v3  }
0x95: {  	v3 =	vor.u32 v3, v4  }
0x96: {  	v4 =	vperm.xlane v3, v0;
	_ =	sdelay $0x1  }
0x97: {  	v4 =	vadd.s32 v1, v4;
	_ =	sdelay $0x3  }
0x98: {  	s8 =	rddreg [dreg:$0x1f];
	v3 =	vperm.xlane v3, v2  }
0x99: {  	[tilespmem:s8], [sflag:$0x1] =	stream.indirect_vreg.gather [hbm4b:s3+s2], $0x80, v4, vm0, $0xb8;
	[tilespmem:$0x18100] =	vst v63  }
0x9a: {  	v3 =	vadd.s32 v1, v3  }
0x9b: {  	[tilespmem:s14], [sflag:$0x1] =	stream.indirect_vreg.gather [hbm4b:s4+s2], $0x80, v4, vm0, $0xb8;
	[tilespmem:$0x18100] =	vst v63  }
0x9c: {  	_ = 	snop  }
0x9d: {  	[tilespmem:s15], [sflag:$0x1] =	stream.indirect_vreg.gather [hbm4b:s5+s2], $0x80, v4, vm0, $0xb8;
	[tilespmem:$0x18100] =	vst v63  }
0x9e: {  	_ = 	snop  }
0x9f: {  	[tilespmem:s16], [sflag:$0x1] =	stream.indirect_vreg.gather [hbm4b:s3+s2], $0x80, v3, vm0, $0xb8;
	[tilespmem:$0x18100] =	vst v63  }
0xa0: {  	_ = 	snop  }
0xa1: {  	[tilespmem:s17], [sflag:$0x1] =	stream.indirect_vreg.gather [hbm4b:s4+s2], $0x80, v3, vm0, $0xb8;
	[tilespmem:$0x18100] =	vst v63  }
0xa2: {  	_ = 	snop  }
0xa3: {  	[tilespmem:s18], [sflag:$0x1] =	stream.indirect_vreg.gather [hbm4b:s5+s2], $0x80, v3, vm0, $0xb8;
	[tilespmem:$0x18100] =	vst v63  }
0xa4: {  	v3 =	vld [tilespmem:$0x60];
	_ =	sdelay $0x4  }
0xa5: {  	v62 =	vshrl.u32 v3, $0x3  }
0xa6: {  	v4 =	vmul.u32 $0x30, v62  }
0xa7: {  	v3 =	vand.u32 $0x7, v3  }
0xa8: {  	v3 =	vor.u32 v3, v4  }
0xa9: {  	v4 =	vperm.xlane v3, v0;
	_ =	sdelay $0x1  }
0xaa: {  	v4 =	vadd.s32 v1, v4;
	_ =	sdelay $0x3  }
0xab: {  	v3 =	vperm.xlane v3, v2  }
0xac: {  	[tilespmem:s19], [sflag:$0x1] =	stream.indirect_vreg.gather [hbm4b:s3+s2], $0x80, v4, vm0, $0xb8;
	[tilespmem:$0x18100] =	vst v63  }
0xad: {  	v3 =	vadd.s32 v1, v3  }
0xae: {  	[tilespmem:s20], [sflag:$0x1] =	stream.indirect_vreg.gather [hbm4b:s4+s2], $0x80, v4, vm0, $0xb8;
	[tilespmem:$0x18100] =	vst v63  }
0xaf: {  	_ = 	snop  }
0xb0: {  	[tilespmem:s21], [sflag:$0x1] =	stream.indirect_vreg.gather [hbm4b:s5+s2], $0x80, v4, vm0, $0xb8;
	[tilespmem:$0x18100] =	vst v63  }
0xb1: {  	_ = 	snop  }
0xb2: {  	[tilespmem:s22], [sflag:$0x1] =	stream.indirect_vreg.gather [hbm4b:s3+s2], $0x80, v3, vm0, $0xb8;
	[tilespmem:$0x18100] =	vst v63  }
0xb3: {  	_ = 	snop  }
0xb4: {  	[tilespmem:s23], [sflag:$0x1] =	stream.indirect_vreg.gather [hbm4b:s4+s2], $0x80, v3, vm0, $0xb8;
	[tilespmem:$0x18100] =	vst v63  }
0xb5: {  	_ = 	snop  }
0xb6: {  	[tilespmem:s24], [sflag:$0x1] =	stream.indirect_vreg.gather [hbm4b:s5+s2], $0x80, v3, vm0, $0xb8;
	[tilespmem:$0x18100] =	vst v63  }
0xb7: {  	v3 =	vld [tilespmem:$0x70];
	_ =	sdelay $0x4  }
0xb8: {  	v63 =	vshrl.u32 v3, $0x3  }
0xb9: {  	v4 =	vmul.u32 $0x30, v63  }
0xba: {  	v3 =	vand.u32 $0x7, v3  }
0xbb: {  	v3 =	vor.u32 v3, v4  }
0xbc: {  	v4 =	vperm.xlane v3, v0;
	_ =	sdelay $0x1  }
0xbd: {  	v4 =	vadd.s32 v1, v4;
	_ =	sdelay $0x3  }
0xbe: {  	v3 =	vperm.xlane v3, v2  }
0xbf: {  	[tilespmem:s25], [sflag:$0x1] =	stream.indirect_vreg.gather [hbm4b:s3+s2], $0x80, v4, vm0, $0xb8;
	[tilespmem:$0x18100] =	vst v63  }
0xc0: {  	v3 =	vadd.s32 v1, v3  }
0xc1: {  	[tilespmem:s26], [sflag:$0x1] =	stream.indirect_vreg.gather [hbm4b:s4+s2], $0x80, v4, vm0, $0xb8;
	[tilespmem:$0x18100] =	vst v63  }
0xc2: {  	_ = 	snop  }
0xc3: {  	[tilespmem:s28], [sflag:$0x1] =	stream.indirect_vreg.gather [hbm4b:s5+s2], $0x80, v4, vm0, $0xb8;
	[tilespmem:$0x18100] =	vst v63  }
0xc4: {  	_ = 	snop  }
0xc5: {  	[tilespmem:s29], [sflag:$0x1] =	stream.indirect_vreg.gather [hbm4b:s3+s2], $0x80, v3, vm0, $0xb8;
	[tilespmem:$0x18100] =	vst v63  }
0xc6: {  	_ = 	snop  }
0xc7: {  	[tilespmem:s30], [sflag:$0x1] =	stream.indirect_vreg.gather [hbm4b:s4+s2], $0x80, v3, vm0, $0xb8;
	[tilespmem:$0x18100] =	vst v63  }
0xc8: {  	_ = 	snop  }
0xc9: {  	[tilespmem:s31], [sflag:$0x1] =	stream.indirect_vreg.gather [hbm4b:s5+s2], $0x80, v3, vm0, $0xb8;
	[tilespmem:$0x18100] =	vst v63  }
0xca: {  	_ =	swait.ge [sflag:s1], $0x18000  }
0xcb: {  	p0 =	sne.s32 s6, $0x260;
	[sflag:s1] =	ssyncset.done $0x0  }
.Ltmp0:
0xcc: {  	[sflag:s1] =	ssyncadd.s32 $0xFFFE8000;
	(pc) =	sbr.rel @p0 .LBB2_2-.Ltmp0, $4  }
0xcd: {  	[hbm4b:s9+s2] =	stream.linear.scatter [tilespmem:s11], [sflag:$0x2], $0x18000, $0x38;
	[tilespmem:$0x18100] =	vst v63  }
0xce: {  	_ =	swait.ge [sflag:s10], $0x18000  }
0xcf: {  	[sflag:s10] =	ssyncset.done $0x0  }
0xd0: {  	s6 =	sadd.s32 $0x10, s6;
	s9 =	sadd.s32 $0x3000, s9;
	[sflag:s10] =	ssyncadd.s32 $0xFFFE8000  }
0xd1: {  	s6 =	sld [smem:$0x7FA];
	_ =	sdelay $0x1  }
0xd2: {  	s7 =	simm.s32 $0x80  }
0xd3: {  	[tilespmem:s7], [sflag:$0x2] =	stream.linear.gather [hbm4b:s6+s2], $0x8, $0x38;
	[tilespmem:$0x18100] =	vst v63  }
0xd4: {  	_ =	swait.ge [sflag:s10], $0x8  }
0xd5: {  	[sflag:s10] =	ssyncset.done $0x0  }
0xd6: {  	[sflag:s10] =	ssyncadd.s32 $0xFFFFFFF8  }
0xd7: {  	v3 =	vld.msk [tilespmem:$0x80], $0xff;
	_ =	sdelay $0x4  }
0xd8: {  	v4 =	vshrl.u32 v3, $0x3  }
0xd9: {  	v4 =	vmul.u32 $0x30, v4  }
0xda: {  	v3 =	vand.u32 $0x7, v3  }
0xdb: {  	v3 =	vor.u32 v3, v4  }
0xdc: {  	v3 =	vperm.xlane v3, v0;
	_ =	sdelay $0x1  }
0xdd: {  	v3 =	vadd.s32 v1, v3;
	_ =	sdelay $0x4  }
0xde: {  	[tilespmem:s11], [sflag:$0x1] =	stream.indirect_vreg.gather [hbm4b:s3+s2], $0x80, v3, vm0, $0xb8;
	[tilespmem:$0x18100] =	vst v63  }
0xdf: {  	_ = 	snop  }
0xe0: {  	[tilespmem:s12], [sflag:$0x1] =	stream.indirect_vreg.gather [hbm4b:s4+s2], $0x80, v3, vm0, $0xb8;
	[tilespmem:$0x18100] =	vst v63  }
0xe1: {  	_ = 	snop  }
0xe2: {  	[tilespmem:s13], [sflag:$0x1] =	stream.indirect_vreg.gather [hbm4b:s5+s2], $0x80, v3, vm0, $0xb8;
	[tilespmem:$0x18100] =	vst v63  }
0xe3: {  	_ =	swait.ge [sflag:s1], $0x1800  }
0xe4: {  	s8 =	sld [smem:$0x7FB]  }
0xe5: {  	[sflag:s1] =	ssyncset.done $0x0  }
0xe6: {  	[sflag:s1] =	ssyncadd.s32 $0xFFFFE800  }
0xe7: {  	[hbm4b:s8+s2] =	stream.linear.scatter [tilespmem:s11], [sflag:$0x2], $0x1800, $0x38;
	[tilespmem:$0x18100] =	vst v63  }
0xe8: {  	_ =	swait.ge [sflag:s10], $0x1800  }
0xe9: {  	s9 =	sld [smem:$0x7FC];
	_ =	sdelay $0x1  }
0xea: {  	s0 =	sadd.s32 $0x1, s0  }
0xeb: {  	p0 =	sne.s32 s0, s9  }
.Ltmp1:
0xec: {  	_ = 	snop;
	(pc) =	sbr.rel @p0 .LBB2_1-.Ltmp1, $3  }
0xed: {  	_ =	sdelay $0x1  }
0xee: {  	[sflag:s10] =	ssyncset.done $0x0  }
0xef: {  	[sflag:s10] =	ssyncadd.s32 $0xFFFFE800  }
0xf0: {  	_ =	sfence.sel $0x180000  }
0xf1: {  	[bflag:$0x0] =	sbarrier.arrive $0xFFFF  }
0xf2: {  	_ =	strace $0x90000047  }
0xf3: {  	s0 =	stileid.u32;
	[bflag:$0x2] =	sbarrier.arrive $0xFFFF  }
0xf4: {  	p0 =	sne.s32 s0, $0x0;
	s0 =	rddreg [dreg:$0x2]  }
0xf5: {  	s0 =	sadd.s32 @!p0 $0x100000, s0  }
0xf6: {  	[sflag:s0] =	ssyncadd.tile.s32 @!p0 $0x1;
	_ =	shalt  }
.Lfunc_end2:
_tile_overlayer_lowered:
.L_overlay_start_2:
0xf7: {  	(tag) =	ssettag $0x2  }
0xf8: {  	s0 =	rddreg [dreg:$0x0];
	s2 =	stileid.u32  }
0xf9: {  	s1 =	rddreg [dreg:$0x1];
	p0 =	sne.s32 s2, $0x0  }
0xfa: {  	s3 =	rddreg [dreg:$0x2];
	[bflag:$0x3] =	sbarrier.arrive $0xFFFF;
	s2 =	simm.s32 @!p0 $0x1C02  }
0xfb: {  	[timem:s3], [sflag:s2] =	dma.local @!p0 [hbm:s0], s1  }
0xfc: {  	s0 =	simm.s32 @!p0 $0x2  }
0xfd: {  	_ =	swait.ge @!p0 [sflag:s0], s1  }
0xfe: {  	s1 =	ssub.s32 @!p0 $0x0, s1;
	[sflag:s0] =	ssyncset.done @!p0 $0x0  }
0xff: {  	[sflag:s0] =	ssyncadd.s32 @!p0 s1  }
0x100: {  	[bflag:$0x3] =	sbarrier.arrive $0xFFFF  }
0x101: {  	_ =	shalt  }

// kernel: kernel.9.cloned.1.call-start
scs
__scs_entry_jumppad:
0x0: {  	(pc) =	sbr.rel $0x88, $3  }
0x1: {  	(tag) =	ssettag $0x0;
	lr =	simm.s32 $0x1  }
0x2: {  	[smem:$0x3F94] =	sst lr;
	_ =	strace $0xD0000000  }
0x3: {  	_ = 	snop  }
0x4: {  	_ = 	snop  }
0x5: {  	_ = 	snop  }
0x6: {  	_ = 	snop  }
0x7: {  	_ = 	snop  }
__scs_overlays_trampoline_lowered:
0x8: {  	[smem:$0x3FA3] =	sst s0  }
0x9: {  	[smem:$0x3FA4] =	sst s1  }
0xa: {  	[smem:$0x3FA5] =	sst s2  }
0xb: {  	[smem:$0x3FA6] =	sst s3  }
0xc: {  	[smem:$0x3FA7] =	sst s4  }
0xd: {  	[smem:$0x3FA8] =	sst s5  }
0xe: {  	[smem:$0x3FA9] =	sst s6  }
0xf: {  	[smem:$0x3FAA] =	sst s7  }
0x10: {  	[smem:$0x3FAB] =	sst s8  }
0x11: {  	[smem:$0x3FAC] =	sst s9;
	s0 =	simm.s32 @!p0 $0x0  }
0x12: {  	s1 =	sld [smem:$0x3F92];
	s0 =	simm.s32 @p0 $0x1  }
0x13: {  	[smem:$0x3FAD] =	sst s0;
	s0 =	simm.s32 @!p1 $0x0  }
0x14: {  	s2 =	sld [smem:$0x3F91];
	s0 =	simm.s32 @p1 $0x1  }
0x15: {  	[smem:$0x3FAE] =	sst s0;
	s0 =	simm.s32 @!p2 $0x0  }
0x16: {  	s3 =	sld [smem:$0x3FDB];
	s0 =	simm.s32 @p2 $0x1  }
0x17: {  	s4 =	simm.s32 $0x1BF5;
	[smem:$0x3FB0] =	sst s0  }
0x18: {  	s0 =	sld [smem:$0x3F93];
	_ =	swait.ge [sflag:s4], $0x0  }
0x19: {  	s7 =	sld [smem:$0x3F94]  }
0x1a: {  	s8 =	sadd.s32 $0xFFFFE003, lr  }
0x1b: {  	s9 =	sadd.s32 $0xFFFFFEF7, lr;
	s5 =	simm.s32 $0xFFFFFFFF;
	p2 =	slt.u32 s8, $0xFFFFF086  }
0x1c: {  	p1 =	slt.u32 s9, $0xF7A;
	s5 =	simm.s32 @!p2 $0x0  }
0x1d: {  	s5 =	simm.s32 @p1 $0x1;
	p0 =	seq.s32 s7, s2  }
0x1e: {  	s7 =	smul.u32 @!p0 $0xF7A, s2;
	p2 =	seq.s32 @!p0 s5, $0x0  }
0x1f: {  	s9 =	smul.u32 $0xF7A, s1;
	s8 =	simm.s32 @!p0 $0x1BF5;
	p2 =	por !p2, p0  }
0x20: {  	[sflag:s8] =	ssyncset.s32 @!p0 $0xFFFFF086;
	s6 =	sadd.s32 @!p0 s3, s7;
	s7 =	simm.s32 @!p0 $0x108  }
0x21: {  	s3 =	sadd.s32 s3, s9;
	s6 =	sadd.s32 @!p0 $0x88, s6;
	s7 =	simm.s32 @p2 $0x1082  }
0x22: {  	[simem:s7], [sflag:s8] =	dma.local @!p0 [hbm:s6], $0xF7A  }
0x23: {  	s9 =	sor.u32 $0xD0000000, s2;
	s6 =	simm.s32 $0x108;
	_ =	swait.ge @!p0 [sflag:s8], $0x0  }
0x24: {  	s3 =	sadd.s32 $0x88, s3;
	s6 =	simm.s32 @!p1 $0x1082;
	[sflag:s4] =	ssyncset.s32 $0xFFFFF086  }
0x25: {  	[simem:s6], [sflag:s4] =	dma.local [hbm:s3], $0xF7A  }
0x26: {  	[smem:$0x3F94] =	sst s1;
	(tag) =	ssettag s2;
	_ =	strace s9  }
0x27: {  	s1 =	sld [smem:$0x3FA4]  }
0x28: {  	s2 =	sld [smem:$0x3FA5]  }
0x29: {  	s4 =	sld [smem:$0x3FA7]  }
0x2a: {  	p0 =	seq.s32 s5, $0x0;
	s5 =	sld [smem:$0x3FA8]  }
0x2b: {  	s6 =	sld [smem:$0x3FA9]  }
0x2c: {  	s7 =	sld [smem:$0x3FAA]  }
0x2d: {  	s3 =	simm.s32 $0x108;
	s8 =	sld [smem:$0x3FAB]  }
0x2e: {  	s3 =	simm.s32 @!p0 $0x1082;
	s9 =	sld [smem:$0x3FAC]  }
0x2f: {  	lr =	sadd.s32 s0, s3;
	s0 =	sld [smem:$0x3FA3]  }
0x30: {  	s3 =	sld [smem:$0x3FA6]  }
0x31: {  	[smem:$0x3FAF] =	sst s10  }
0x32: {  	s10 =	sld [smem:$0x3FAD];
	_ =	sdelay $0x3  }
0x33: {  	p0 =	seq.s32 s10, $0x1;
	s10 =	sld [smem:$0x3FAF];
	_ =	sdelay $0x3  }
0x34: {  	[smem:$0x3FAF] =	sst s10  }
0x35: {  	s10 =	sld [smem:$0x3FAE];
	_ =	sdelay $0x3  }
0x36: {  	p1 =	seq.s32 s10, $0x1;
	s10 =	sld [smem:$0x3FAF];
	_ =	sdelay $0x3  }
0x37: {  	[smem:$0x3FAF] =	sst s10  }
0x38: {  	s10 =	sld [smem:$0x3FB0]  }
0x39: {  	_ = 	snop;
	(pc) =	sbr.ind lr, $3  }
0x3a: {  	_ = 	snop  }
0x3b: {  	_ = 	snop  }
0x3c: {  	p2 =	seq.s32 s10, $0x1;
	s10 =	sld [smem:$0x3FAF]  }
0x3d: {  	_ =	shalt  }
0x3e: {  	_ =	shalt  }
0x3f: {  	_ =	shalt  }
0x40: {  	_ =	shalt  }
0x41: {  	_ =	shalt  }
0x42: {  	_ =	shalt  }
0x43: {  	_ =	shalt  }
0x44: {  	_ =	shalt  }
0x45: {  	_ =	shalt  }
0x46: {  	_ =	shalt  }
0x47: {  	_ =	shalt  }
0x48: {  	_ =	shalt  }
0x49: {  	_ =	shalt  }
0x4a: {  	_ =	shalt  }
0x4b: {  	_ =	shalt  }
0x4c: {  	_ =	shalt  }
0x4d: {  	_ =	shalt  }
0x4e: {  	_ =	shalt  }
0x4f: {  	_ =	shalt  }
0x50: {  	_ =	shalt  }
0x51: {  	_ =	shalt  }
0x52: {  	_ =	shalt  }
0x53: {  	_ =	shalt  }
0x54: {  	_ =	shalt  }
0x55: {  	_ =	shalt  }
0x56: {  	_ =	shalt  }
0x57: {  	_ =	shalt  }
0x58: {  	_ =	shalt  }
0x59: {  	_ =	shalt  }
0x5a: {  	_ =	shalt  }
0x5b: {  	_ =	shalt  }
0x5c: {  	_ =	shalt  }
0x5d: {  	_ =	shalt  }
0x5e: {  	_ =	shalt  }
0x5f: {  	_ =	shalt  }
0x60: {  	_ =	shalt  }
0x61: {  	_ =	shalt  }
0x62: {  	_ =	shalt  }
0x63: {  	_ =	shalt  }
0x64: {  	_ =	shalt  }
0x65: {  	_ =	shalt  }
0x66: {  	_ =	shalt  }
0x67: {  	_ =	shalt  }
0x68: {  	_ =	shalt  }
0x69: {  	_ =	shalt  }
0x6a: {  	_ =	shalt  }
0x6b: {  	_ =	shalt  }
0x6c: {  	_ =	shalt  }
0x6d: {  	_ =	shalt  }
0x6e: {  	_ =	shalt  }
0x6f: {  	_ =	shalt  }
0x70: {  	_ =	shalt  }
0x71: {  	_ =	shalt  }
0x72: {  	_ =	shalt  }
0x73: {  	_ =	shalt  }
0x74: {  	_ =	shalt  }
0x75: {  	_ =	shalt  }
0x76: {  	_ =	shalt  }
0x77: {  	_ =	shalt  }
0x78: {  	_ =	shalt  }
0x79: {  	_ =	shalt  }
0x7a: {  	_ =	shalt  }
0x7b: {  	_ =	shalt  }
0x7c: {  	_ =	shalt  }
0x7d: {  	_ =	shalt  }
0x7e: {  	_ =	shalt  }
0x7f: {  	_ =	shalt  }
0x80: {  	_ =	shalt  }
0x81: {  	_ =	shalt  }
0x82: {  	_ =	shalt  }
0x83: {  	_ =	shalt  }
0x84: {  	_ =	shalt  }
0x85: {  	_ =	shalt  }
0x86: {  	_ =	shalt  }
0x87: {  	_ =	shalt  }
.Lfunc_end0:
.L_simem_size_0:
called_computation.1_lowered:
.L_overlay_start_0:
0x88: {  	s2 =	sld [smem:$0x3FD9]  }
0x89: {  	s3 =	sld [smem:$0x3FFE];
	_ =	sdelay $0x1  }
0x8a: {  	s1 =	srdreg.scid  }
0x8b: {  	s0 =	sand.u32 $0x1, s1  }
0x8c: {  	s14 =	sshll.u32 s0, $0xA;
	s2 =	sadd.s32 s3, s2  }
0x8d: {  	s2 =	sadd.s32 s2, s14  }
0x8e: {  	[smem:$0x3FBB] =	sst s2  }
0x8f: {  	_ = 	snop  }
0x90: {  	s2 =	sld [smem:$0x3FD0];
	_ =	sdelay $0x2  }
0x91: {  	s15 =	simm.s32 $0xA;
	s4 =	simm.s32 $0x10  }
0x92: {  	[smem:s4], [sflag:s15] =	dma.local [hbm:s2], $0x1  }
0x93: {  	_ =	swait.eq [sflag:s15], $0x1  }
0x94: {  	[sflag:s15] =	ssyncset.done $0x0  }
0x95: {  	s16 =	sld [smem:$0x10];
	[sflag:s15] =	ssyncadd.s32 $0xFFFFFFFF  }
0x96: {  	s17 =	sld [smem:$0x11];
	(tm) =	ssettm $0x1  }
0x97: {  	s18 =	sld [smem:$0x3FFB];
	_ =	sdelay $0x3  }
0x98: {  	_ =	strace s18  }
0x99: {  	s4 =	sld [smem:$0x3FFC];
	_ =	sdelay $0x3  }
0x9a: {  	_ =	strace s4  }
0x9b: {  	s4 =	sld [smem:$0x3FFD];
	_ =	sdelay $0x3  }
0x9c: {  	_ =	strace s4  }
0x9d: {  	_ =	strace $0x8FFFFFFF  }
0x9e: {  	s19 =	sld [smem:$0x3FDB];
	_ =	sdelay $0x1  }
0x9f: {  	s5 =	simm.s32 $_scs_section_size  }
0xa0: {  	s6 =	simm.s32 $_size__tile_overlayer_lowered;
	s7 =	simm.s32 $_tile_overlayer_lowered  }
0xa1: {  	s22 =	simm.s32 $0x1BFF;
	s21 =	sshll.u32 s7, $0x1;
	s4 =	sadd.s32 s5, s19  }
0xa2: {  	s8 =	simm.s32 $0x0;
	s20 =	sshll.u32 s6, $0x1;
	s6 =	sadd.s32 s21, s4  }
0xa3: {  	[timem:s8], [sflag:s22] =	dma.local [hbm:s6], s20  }
0xa4: {  	_ =	swait.ge [sflag:s22], s20  }
0xa5: {  	s5 =	ssub.s32 $0x0, s20;
	[sflag:s22] =	ssyncset.done $0x0  }
0xa6: {  	[sflag:s22] =	ssyncadd.s32 s5;
	_ =	sdelay $0x1  }
0xa7: {  	s23 =	simm.s32 $0x1B8B  }
0xa8: {  	_ =	swait.ge [sflag:s23], $0x1  }
0xa9: {  	[sflag:s23] =	ssyncset.done $0x0  }
0xaa: {  	s25 =	simm.s32 $0x1B8E;
	s24 =	sld [smem:$0x3FFE];
	[sflag:s23] =	ssyncadd.s32 $0xFFFFFFFF  }
0xab: {  	s26 =	simm.s32 $execute0_lowered;
	[smem:$0x3FD2] =	sst s25  }
0xac: {  	s6 =	sshll.u32 s26, $0x1;
	_ =	strace $0x80000049;
	[dreg:$0x1] =	wrdreg $0xFFFFFFFF  }
0xad: {  	s28 =	simm.s32 $_size_execute0_lowered;
	s4 =	sadd.s32 s4, s6;
	[dreg:$0x0] =	wrdreg $0x0  }
0xae: {  	s6 =	sshll.u32 s28, $0x1;
	[dreg:$0x2] =	wrdreg s4  }
0xaf: {  	[dreg:$0x3] =	wrdreg s6  }
0xb0: {  	[dreg:$0x4] =	wrdreg $0xC0  }
0xb1: {  	_ =	task [dreg:s8], $0x5FFFF  }
0xb2: {  	[dreg:$0x1] =	wrdreg $0xFFFFFFFF  }
0xb3: {  	[dreg:$0x0] =	wrdreg $0x60  }
0xb4: {  	[dreg:$0x2] =	wrdreg s24  }
0xb5: {  	[dreg:$0x3] =	wrdreg s16  }
0xb6: {  	[dreg:$0x4] =	wrdreg s17  }
0xb7: {  	[dreg:$0x5] =	wrdreg $0x68000  }
0xb8: {  	[dreg:$0x6] =	wrdreg $0x9  }
0xb9: {  	_ =	task.clear_ibuf [dreg:s8], $0x7FFFF;
	_ =	strace $0x90000049  }
0xba: {  	s29 =	simm.s32 $0x9;
	_ =	strace $0x8000004B  }
0xbb: {  	_ =	swait.ge [sflag:s29], $0x1  }
0xbc: {  	[sflag:s29] =	ssyncadd.s32 $0xFFFFFFFF  }
0xbd: {  	_ =	strace $0x9000004B  }
0xbe: {  	_ =	sfence  }
0xbf: {  	s30 =	sld [smem:$0x0];
	_ =	sdelay $0x2  }
0xc0: {  	s31 =	sshll.u32 s1, $0xD;
	s1 =	sshrl.u32 s1, $0x2  }
0xc1: {  	s3 =	sand.u32 $0x4000, s31;
	s1 =	sadd.s32 s1, s30  }
0xc2: {  	s0 =	sor.u32 s3, s0;
	s1 =	sshll.u32 s1, $0x11  }
0xc3: {  	s0 =	sor.u32 s1, s0  }
0xc4: {  	s0 =	sadd.s32 $0x8F2B, s0  }
0xc5: {  	[sflag:s0] =	ssyncadd.remote.s32 $0x1  }
0xc6: {  	_ =	sfence.sel $0xFFFF  }
0xc7: {  	[dreg:$0x0] =	wrdreg $0xFFFFFFFF;
	(pc) =	sbr.abs _section_cstart, $3  }
0xc8: {  	[dreg:$0x1] =	wrdreg $0xFFFFFFFF  }
0xc9: {  	_ =	task.clear_ibuf [dreg:s8], $0x2FFFF;
	_ =	strace $0x9FFFFFFF  }
0xca: {  	(tm) =	ssettm $0x7FFFFFFF  }
0xcb: {  	_ =	shalt  }
tec
execute0_lowered:
.L_overlay_start_1:
0x0: {  	(tag) =	ssettag $0x1  }
0x1: {  	s5 =	rddreg [dreg:$0x0]  }
0x2: {  	s6 =	rddreg [dreg:$0x1]  }
0x3: {  	s2 =	rddreg [dreg:$0x2]  }
0x4: {  	s3 =	rddreg [dreg:$0x3]  }
0x5: {  	s0 =	rddreg [dreg:$0x4];
	s1 =	stileid.u32  }
0x6: {  	s4 =	simm.s32 $0x0;
	s8 =	srdreg.scid;
	s7 =	smul.u32 $0x9C400, s1  }
0x7: {  	s17 =	simm.s32 $0x50;
	[smem:$0x7FF] =	sst s4;
	s9 =	smul.u32 $0x7D000, s1  }
0x8: {  	s8 =	sand.u32 $0x1, s8;
	s12 =	smul.u32 $0x1F400, s1;
	s15 =	sshll.u32 s1, $0xB  }
0x9: {  	s16 =	sadd.s32 $0x1C00, s5;
	p0 =	sgt.u32 s1, $0x9;
	p1 =	slt.u32 s1, $0xA  }
0xa: {  	s20 =	simm.s32 $0x0;
	_ =	strace $0x8000004A;
	s25 =	smul.u32 $0x138800, s8  }
0xb: {  	s11 =	ssub.s32 $0x2, s8;
	s13 =	sor.u32 $0x2, s8;
	s31 =	sshll.u32 s8, $0x7  }
0xc: {  	s18 =	sshll.u32 @p1 s1, $0x6;
	s10 =	sadd.s32 s7, s5;
	s14 =	sshrl.u32 s11, $0x1  }
0xd: {  	s13 =	smul.u32 $0x138800, s13;
	s5 =	sadd.s32 s6, s15;
	s26 =	sshrl.u32 s9, $0x2  }
0xe: {  	s15 =	simm.s32 $0x1000;
	s18 =	sor.u32 @p1 $0x1C01, s18;
	s11 =	ssub.s32 s11, s14  }
0xf: {  	s7 =	sadd.s32 s12, s25;
	s19 =	sadd.s32 s26, s3;
	s10 =	sadd.s32 s31, s10  }
0x10: {  	s14 =	simm.s32 $0x400;
	s28 =	sadd.s32 s12, s13;
	s29 =	sshrl.u32 s7, $0x3  }
0x11: {  	s8 =	smax.u32 s11, $0x1;
	s9 =	sadd.s32 $0x1474200, s10;
	s10 =	sadd.s32 $0x1474300, s10  }
0x12: {  	s12 =	sshll.u32 @!p0 s1, $0x6;
	s11 =	simm.s32 $0x1;
	s13 =	sshrl.u32 @!p0 s19, $0x3  }
0x13: {  	s19 =	sshrl.u32 @p1 s19, $0x3;
	s30 =	sshrl.u32 s28, $0x3;
	s6 =	sadd.s32 s16, s29  }
0x14: {  	s12 =	sor.u32 @!p0 $0x1C01, s12;
	s7 =	sadd.s32 s16, s30;
	s16 =	simm.s32 $0x4000  }
.LBB2_1:
0x15: {  	[tilespmem:s4], [sflag:$0x1] =	stream.linear.gather [hbm4b:s5+s4], $0x3E80, $0x38;
	[tilespmem:$0x1A080] =	vst v63  }
0x16: {  	_ =	swait.ge [sflag:s11], $0x3E80  }
0x17: {  	[sflag:s11] =	ssyncset.done $0x0  }
0x18: {  	s21 =	simm.s32 @!p0 $0x1;
	[sflag:s11] =	ssyncadd.s32 $0xFFFFC180  }
0x19: {  	[spmem:s13], [sflag:s12] =	dma.local @!p0 [hbm:s2], $0x3E80  }
0x1a: {  	_ =	swait.ge @!p0 [sflag:s21], $0x3E80  }
0x1b: {  	[sflag:s21] =	ssyncset.done @!p0 $0x0  }
0x1c: {  	[sflag:s21] =	ssyncadd.s32 @!p0 $0xFFFFC180  }
0x1d: {  	[bflag:$0x0] =	sbarrier.arrive $0xFFFF  }
0x1e: {  	[tilespmem:s16], [sflag:$0x1] =	stream.strided.gather [hbm4b:s9+s14], $0x2800, s15, s14, $0x38;
	[tilespmem:$0x1A080] =	vst v63  }
0x1f: {  	_ =	swait.ge [sflag:s11], $0x2800  }
0x20: {  	[sflag:s11] =	ssyncset.done $0x0  }
0x21: {  	s31 =	simm.s32 $0x0;
	[sflag:s11] =	ssyncadd.s32 $0xFFFFD800  }
0x22: {  	[spmem:s3] =	stream.indirect.scatter.add.f32 [tilespmem:s16], [sflag:$0x1], $0x80, s31, s17, $0xb8;
	[tilespmem:$0x1A080] =	vst v63  }
0x23: {  	_ =	swait.ge [sflag:s11], $0x2800  }
0x24: {  	s22 =	smov.u32 s9;
	s21 =	simm.s32 $0x200;
	[sflag:s11] =	ssyncset.done $0x0  }
.LBB2_2:
0x25: {  	p2 =	sne.s32 s21, $0xF800;
	[sflag:s11] =	ssyncadd.s32 $0xFFFFD800;
	s22 =	sadd.s32 $0x1400, s22  }
0x26: {  	[tilespmem:s16], [sflag:$0x1] =	stream.strided.gather [hbm4b:s22+s14], $0x2800, s15, s14, $0x38;
	[tilespmem:$0x1A080] =	vst v63  }
0x27: {  	s23 =	smov.u32 s21;
	s21 =	sadd.s32 $0x200, s21;
	_ =	swait.ge [sflag:s11], $0x2800  }
.Ltmp0:
0x28: {  	[sflag:s11] =	ssyncset.done $0x0;
	(pc) =	sbr.rel @p2 .LBB2_2-.Ltmp0, $4  }
0x29: {  	s23 =	sshra.s32 s23, $0x2;
	[sflag:s11] =	ssyncadd.s32 $0xFFFFD800  }
0x2a: {  	[spmem:s3] =	stream.indirect.scatter.add.f32 [tilespmem:s16], [sflag:$0x1], $0x80, s23, s17, $0xb8;
	[tilespmem:$0x1A080] =	vst v63  }
0x2b: {  	_ =	swait.ge [sflag:s11], $0x2800  }
0x2c: {  	[sflag:s11] =	ssyncset.done $0x0  }
0x2d: {  	[sflag:s11] =	ssyncadd.s32 $0xFFFFD800  }
0x2e: {  	s21 =	simm.s32 @p1 $0x1;
	[bflag:$0x0] =	sbarrier.arrive $0xFFFF  }
0x2f: {  	[hbm:s6], [sflag:s18] =	dma.local @p1 [spmem:s19], $0x3E80  }
0x30: {  	_ =	swait.ge @p1 [sflag:s21], $0x3E80  }
0x31: {  	[sflag:s21] =	ssyncset.done @p1 $0x0  }
0x32: {  	[sflag:s21] =	ssyncadd.s32 @p1 $0xFFFFC180  }
0x33: {  	[bflag:$0x0] =	sbarrier.arrive @p1 $0xFFFF  }
0x34: {  	[spmem:s19], [sflag:s18] =	dma.local @p1 [hbm:s2], $0x3E80  }
0x35: {  	_ =	swait.ge @p1 [sflag:s21], $0x3E80  }
0x36: {  	[sflag:s21] =	ssyncset.done @p1 $0x0  }
0x37: {  	[sflag:s21] =	ssyncadd.s32 @p1 $0xFFFFC180  }
0x38: {  	[bflag:$0x0] =	sbarrier.arrive @!p1 $0xFFFF  }
0x39: {  	[bflag:$0x0] =	sbarrier.arrive $0xFFFF  }
0x3a: {  	[tilespmem:s16], [sflag:$0x1] =	stream.strided.gather [hbm4b:s10+s14], $0x2800, s15, s14, $0x38;
	[tilespmem:$0x1A080] =	vst v63  }
0x3b: {  	_ =	swait.ge [sflag:s11], $0x2800  }
0x3c: {  	[sflag:s11] =	ssyncset.done $0x0  }
0x3d: {  	s31 =	simm.s32 $0x0;
	[sflag:s11] =	ssyncadd.s32 $0xFFFFD800  }
0x3e: {  	[spmem:s3] =	stream.indirect.scatter.add.f32 [tilespmem:s16], [sflag:$0x1], $0x80, s31, s17, $0xb8;
	[tilespmem:$0x1A080] =	vst v63  }
0x3f: {  	_ =	swait.ge [sflag:s11], $0x2800  }
0x40: {  	s22 =	smov.u32 s10;
	s21 =	simm.s32 $0x200;
	[sflag:s11] =	ssyncset.done $0x0  }
.LBB2_4:
0x41: {  	p2 =	sne.s32 s21, $0xF800;
	[sflag:s11] =	ssyncadd.s32 $0xFFFFD800;
	s22 =	sadd.s32 $0x1400, s22  }
0x42: {  	[tilespmem:s16], [sflag:$0x1] =	stream.strided.gather [hbm4b:s22+s14], $0x2800, s15, s14, $0x38;
	[tilespmem:$0x1A080] =	vst v63  }
0x43: {  	s23 =	smov.u32 s21;
	s21 =	sadd.s32 $0x200, s21;
	_ =	swait.ge [sflag:s11], $0x2800  }
.Ltmp1:
0x44: {  	[sflag:s11] =	ssyncset.done $0x0;
	(pc) =	sbr.rel @p2 .LBB2_4-.Ltmp1, $4  }
0x45: {  	s23 =	sshra.s32 s23, $0x2;
	[sflag:s11] =	ssyncadd.s32 $0xFFFFD800  }
0x46: {  	[spmem:s3] =	stream.indirect.scatter.add.f32 [tilespmem:s16], [sflag:$0x1], $0x80, s23, s17, $0xb8;
	[tilespmem:$0x1A080] =	vst v63  }
0x47: {  	_ =	swait.ge [sflag:s11], $0x2800  }
0x48: {  	[sflag:s11] =	ssyncset.done $0x0  }
0x49: {  	[sflag:s11] =	ssyncadd.s32 $0xFFFFD800;
	s20 =	sadd.s32 $0x1, s20  }
0x4a: {  	s21 =	simm.s32 @!p0 $0x1;
	[bflag:$0x0] =	sbarrier.arrive $0xFFFF;
	p2 =	sne.s32 s20, s8  }
0x4b: {  	[hbm:s7], [sflag:s12] =	dma.local @!p0 [spmem:s13], $0x3E80  }
.Ltmp2:
0x4c: {  	_ =	swait.ge @!p0 [sflag:s21], $0x3E80;
	(pc) =	sbr.rel @p2 .LBB2_1-.Ltmp2, $3  }
0x4d: {  	[sflag:s21] =	ssyncset.done @!p0 $0x0  }
0x4e: {  	[sflag:s21] =	ssyncadd.s32 @!p0 $0xFFFFC180  }
0x4f: {  	[bflag:$0x0] =	sbarrier.arrive $0xFFFF;
	_ =	sdelay $0x1  }
0x50: {  	_ =	sfence.sel $0x180000  }
0x51: {  	[bflag:$0x0] =	sbarrier.arrive $0xFFFF  }
0x52: {  	p0 =	sne.s32 s1, $0x0;
	_ =	strace $0x9000004A  }
0x53: {  	s0 =	sadd.s32 @!p0 $0x100000, s0;
	[bflag:$0x2] =	sbarrier.arrive $0xFFFF  }
0x54: {  	[sflag:s0] =	ssyncadd.tile.s32 @!p0 $0x1;
	_ =	shalt  }
.Lfunc_end2:
_tile_overlayer_lowered:
.L_overlay_start_2:
0x55: {  	(tag) =	ssettag $0x2  }
0x56: {  	s0 =	rddreg [dreg:$0x0];
	s2 =	stileid.u32  }
0x57: {  	s1 =	rddreg [dreg:$0x1];
	p0 =	sne.s32 s2, $0x0  }
0x58: {  	s3 =	rddreg [dreg:$0x2];
	[bflag:$0x3] =	sbarrier.arrive $0xFFFF;
	s2 =	simm.s32 @!p0 $0x1C01  }
0x59: {  	[timem:s3], [sflag:s2] =	dma.local @!p0 [hbm:s0], s1  }
0x5a: {  	s0 =	simm.s32 @!p0 $0x1  }
0x5b: {  	_ =	swait.ge @!p0 [sflag:s0], s1  }
0x5c: {  	s1 =	ssub.s32 @!p0 $0x0, s1;
	[sflag:s0] =	ssyncset.done @!p0 $0x0  }
0x5d: {  	[sflag:s0] =	ssyncadd.s32 @!p0 s1  }
0x5e: {  	[bflag:$0x3] =	sbarrier.arrive $0xFFFF  }
0x5f: {  	_ =	shalt  }

</sc_bundles>
